<compile_context>
chip_gen: v7x
topology: tpu7x:2x2x1
jax: 0.10.2.dev20260603
libtpu: 0.0.44.dev20260713+nightly
codegen_flags: <defaults>
</compile_context>

<pallas_src>
import dataclasses
import functools

import jax
import jax.numpy as jnp
from jax import lax
from jax.experimental import pallas as pl
from jax.experimental.pallas import tpu as pltpu
from jax.experimental.pallas import tpu_sc as plsc

R = 5
D = 128
LANES = 16
NC = 1
NS = 16
NW = NC * NS
WIN = 128


def _sc_segment_sums(x, ei, typ):
    E = ei.shape[0] // 2
    chunk = E // NW
    grp = 50
    n_grp = chunk // (grp * LANES)

    mesh = plsc.VectorSubcoreMesh(core_axis_name="c", subcore_axis_name="s",
                                  num_cores=NC)

    cp = pltpu.CompilerParams()
    if "needs_layout_passes" in pltpu.CompilerParams.__dataclass_fields__:
        cp = dataclasses.replace(cp, needs_layout_passes=False)

    @functools.partial(
        pl.kernel,
        compiler_params=cp,
        out_type=(
            jax.ShapeDtypeStruct((NC, R + 1, D), jnp.float32),
            jax.ShapeDtypeStruct((NW, R, LANES), jnp.float32),
        ),
        mesh=mesh,
        scratch_types=[
            pltpu.VMEM((chunk,), jnp.int32),
            pltpu.VMEM((grp * LANES,), jnp.int32),
            pltpu.VMEM((grp * LANES,), jnp.int32),
            pltpu.VMEM((LANES,), jnp.int32),
            pltpu.VMEM((LANES,), jnp.int32),
            pltpu.VMEM((LANES, D), jnp.float32),
            pltpu.VMEM((R, LANES), jnp.float32),
            pltpu.VMEM((R + 1, D), jnp.float32),
            pltpu.VMEM_SHARED((R + 1, D), jnp.float32),
            pltpu.SemaphoreType.DMA,
        ],
    )
    def sc_kernel(x_hbm, ei_hbm, typ_hbm, sums_hbm, cnt_hbm,
                  dstb, srcb, typb, ibuf, tbuf, rowbuf, cntb, zsum,
                  acc_sum, sem):
        cid = lax.axis_index("c")
        sid = lax.axis_index("s")
        wid = sid * NC + cid
        base = wid * chunk

        cp_d = pltpu.async_copy(ei_hbm.at[pl.ds(E + base, chunk)], dstb, sem)

        @pl.when(sid == 0)
        def _():
            for r in range(R + 1):
                for j in range(D // LANES):
                    zsum[r, pl.ds(j * LANES, LANES)] = jnp.zeros(
                        (LANES,), jnp.float32)
            pltpu.sync_copy(zsum, acc_sum)

        for r in range(R):
            cntb[r, pl.ds(0, LANES)] = jnp.zeros((LANES,), jnp.float32)

        cp_d.wait()
        plsc.subcore_barrier()

        @pl.loop(0, n_grp)
        def _(g):
            gbase = g * (grp * LANES)
            vs = [dstb[pl.ds(gbase + k * LANES, LANES)] for k in range(grp)]
            while len(vs) > 1:
                nxt = [jnp.minimum(vs[2 * i], vs[2 * i + 1])
                       for i in range(len(vs) // 2)]
                if len(vs) % 2:
                    nxt.append(vs[-1])
                vs = nxt

            @pl.when(jnp.any(vs[0] == 0))
            def _():
                pltpu.sync_copy(
                    ei_hbm.at[pl.ds(base + gbase, grp * LANES)], srcb)
                pltpu.sync_copy(
                    typ_hbm.at[pl.ds(base + gbase, grp * LANES)], typb)

                @pl.loop(0, grp)
                def _(j):
                    off = j * LANES
                    dv = dstb[pl.ds(gbase + off, LANES)]
                    m = dv == 0

                    @pl.when(jnp.any(m))
                    def _():
                        tv = typb[pl.ds(off, LANES)]
                        plsc.addupdate_scatter(
                            cntb.at[...],
                            [tv, lax.iota(jnp.int32, LANES)],
                            jnp.ones((LANES,), jnp.float32),
                            mask=m)
                        ibuf[...] = jnp.zeros((LANES,), jnp.int32)
                        tbuf[...] = jnp.full((LANES,), R, jnp.int32)
                        plsc.store_compressed(
                            ibuf.at[...], srcb[pl.ds(off, LANES)], mask=m)
                        plsc.store_compressed(
                            tbuf.at[...], typb[pl.ds(off, LANES)], mask=m)
                        pltpu.async_copy(
                            x_hbm.at[ibuf], rowbuf, sem).wait()
                        pltpu.sync_copy(
                            rowbuf, acc_sum.at[tbuf], add=True)

        plsc.subcore_barrier()

        pltpu.sync_copy(cntb, cnt_hbm.at[wid])

        @pl.when(sid == 0)
        def _():
            pltpu.sync_copy(acc_sum, sums_hbm.at[cid])

    return sc_kernel(x, ei, typ)


def _tc_head(sums_ref, cnt_ref, x0_ref, comp_ref, basis_ref, root_ref,
             bias_ref, wg_ref, bg_ref, ws_ref, bs_ref, og_ref, os_ref):
    hi = jax.lax.Precision.HIGHEST
    sums = jnp.sum(sums_ref[...], axis=0)
    cnt = jnp.sum(jnp.sum(cnt_ref[...], axis=0), axis=1, keepdims=True)
    c = jnp.maximum(cnt, 1.0)
    h = sums[:R, :] / c
    p = lax.dot_general(comp_ref[...], h, (((0,), (0,)), ((), ())),
                        precision=hi)
    conv = jnp.dot(x0_ref[...], root_ref[...], precision=hi) + bias_ref[...]
    for b in range(R):
        conv = conv + jnp.dot(p[b:b + 1, :], basis_ref[b * D:(b + 1) * D, :],
                              precision=hi)
    x1 = jnp.maximum(conv, 0.0)

    lg = lax.dot_general(x1, wg_ref[...], (((1,), (1,)), ((), ())),
                         precision=hi) + bg_ref[...]
    mg = jnp.max(lg)
    og_ref[...] = lg - mg - jnp.log(jnp.sum(jnp.exp(lg - mg)))

    ls = lax.dot_general(x1, ws_ref[...], (((1,), (1,)), ((), ())),
                         precision=hi) + bs_ref[...]
    ms = jnp.max(ls)
    os_ref[...] = ls - ms - jnp.log(jnp.sum(jnp.exp(ls - ms)))


def kernel(batch_x, batch_edge_index, batch_edge_type, comp, basis, root,
           bias, w_global, b_global, w_sense, b_sense):
    x = batch_x.astype(jnp.float32)
    ei = batch_edge_index.astype(jnp.int32).reshape(-1)
    typ = batch_edge_type.astype(jnp.int32)
    sums_p, cnt_p = _sc_segment_sums(x, ei, typ)

    n_global = w_global.shape[0]
    n_sense = w_sense.shape[0]
    og, os_ = pl.pallas_call(
        _tc_head,
        out_shape=(
            jax.ShapeDtypeStruct((1, n_global), jnp.float32),
            jax.ShapeDtypeStruct((1, n_sense), jnp.float32),
        ),
    )(sums_p, cnt_p, x[0:1, :], comp,
      basis.reshape(R * D, D), root,
      bias.reshape(1, D), w_global, b_global.reshape(1, n_global),
      w_sense, b_sense.reshape(1, n_sense))

    return (og.reshape(n_global), os_.reshape(n_sense))

# --- scband reference (transcript-rebuilt; emitter-appended) ---
"""Pipeline reference for scband-net-rgcn-20822001451274 (READ-ONLY COPY).

The authoritative reference and input builder live on the scoring server;
editing this copy changes nothing except your own understanding.
"""

import jax, jax.numpy as jnp
import numpy as np

N = 10000
E = 320000
D = 128
R = 5
N_SENSE = 4000
N_GLOBAL = 5000  # last_idx_globals - last_idx_senses = 9000 - 4000


def setup_inputs(seed: int = 0) -> dict:
    key = jax.random.key(seed)
    ks = jax.random.split(key, 12)
    batch_x = jax.random.normal(ks[0], (N, D), dtype=jnp.float32)
    batch_edge_index = jax.random.randint(ks[1], (2, E), 0, N, dtype=jnp.int64)
    batch_edge_type = jax.random.randint(ks[2], (E,), 0, R, dtype=jnp.int64)
    # RGCNConv basis-decomposition params (num_bases == num_relations)
    comp = jax.random.normal(ks[3], (R, R), dtype=jnp.float32) * (1.0 / np.sqrt(R))
    basis = jax.random.normal(ks[4], (R, D, D), dtype=jnp.float32) * (1.0 / np.sqrt(D))
    root = jax.random.normal(ks[5], (D, D), dtype=jnp.float32) * (1.0 / np.sqrt(D))
    bias = jnp.zeros((D,), dtype=jnp.float32)
    # output heads
    w_global = jax.random.normal(ks[6], (N_GLOBAL, D), dtype=jnp.float32) * (1.0 / np.sqrt(D))
    b_global = jnp.zeros((N_GLOBAL,), dtype=jnp.float32)
    w_sense = jax.random.normal(ks[7], (N_SENSE, D), dtype=jnp.float32) * (1.0 / np.sqrt(D))
    b_sense = jnp.zeros((N_SENSE,), dtype=jnp.float32)
    return {
        "batch_x": batch_x,
        "batch_edge_index": batch_edge_index,
        "batch_edge_type": batch_edge_type,
        "comp": comp,
        "basis": basis,
        "root": root,
        "bias": bias,
        "w_global": w_global,
        "b_global": b_global,
        "w_sense": w_sense,
        "b_sense": b_sense,
    }


def _rgcn_conv(x, edge_index, edge_type, comp, basis, root, bias):
    # weight[r] = sum_b comp[r, b] * basis[b]  (basis decomposition)
    weight = jnp.einsum('rb,bio->rio', comp, basis)
    src = edge_index[0]
    dst = edge_index[1]
    n = x.shape[0]
    out = jnp.zeros((n, weight.shape[2]), dtype=x.dtype)
    for r in range(weight.shape[0]):
        m = (edge_type == r).astype(x.dtype)
        msg = x[src] * m[:, None]  # gather + relation mask
        summed = jnp.zeros((n, x.shape[1]), dtype=x.dtype).at[dst].add(msg)  # scatter-add
        cnt = jnp.zeros((n,), dtype=x.dtype).at[dst].add(m)
        h = summed / jnp.clip(cnt, 1.0)[:, None]  # mean aggregation per relation
        out = out + h @ weight[r]
    out = out + x @ root + bias
    return out


def reference(batch_x, batch_edge_index, batch_edge_type, comp, basis, root, bias, w_global, b_global, w_sense, b_sense):
    x_l1 = jax.nn.relu(_rgcn_conv(batch_x, batch_edge_index, batch_edge_type, comp, basis, root, bias))
    x1_current_node = x_l1[0]
    logits_global = x1_current_node @ w_global.T + b_global
    logits_sense = x1_current_node @ w_sense.T + b_sense
    return (jax.nn.log_softmax(logits_global, axis=0), jax.nn.log_softmax(logits_sense, axis=0))

if __name__ == "__main__":
    import jax
    _d = setup_inputs()
    print(jax.jit(kernel)(*tuple(_d.values())))

</pallas_src>

<mosaic_0001>
#map = affine_map<(d0, d1) -> (0, 0)>
#map1 = affine_map<(d0, d1) -> (0)>
#map2 = affine_map<(d0, d1) -> (0, 0, 0)>
module attributes {stable_mosaic.version = 14 : i64} {
  func.func @sc_kernel(%arg0: i32, %arg1: i32, %arg2: memref<10000x128xf32, #tpu.memory_space<hbm>>, %arg3: memref<640000xi32, #tpu.memory_space<hbm>>, %arg4: memref<320000xi32, #tpu.memory_space<hbm>>, %arg5: memref<1x6x128xf32, #tpu.memory_space<hbm>>, %arg6: memref<16x5x16xf32, #tpu.memory_space<hbm>>, %arg7: memref<20000xi32, #tpu.memory_space<vmem>>, %arg8: memref<800xi32, #tpu.memory_space<vmem>>, %arg9: memref<800xi32, #tpu.memory_space<vmem>>, %arg10: memref<16xi32, #tpu.memory_space<vmem>>, %arg11: memref<16xi32, #tpu.memory_space<vmem>>, %arg12: memref<16x128xf32, #tpu.memory_space<vmem>>, %arg13: memref<5x16xf32, #tpu.memory_space<vmem>>, %arg14: memref<6x128xf32, #tpu.memory_space<vmem>>, %arg15: memref<6x128xf32, #tpu.memory_space<vmem_shared>>, %arg16: memref<!tpu.dma_semaphore, #tpu.memory_space<semaphore_mem>>) attributes {dimension_semantics = [#tpu.dimension_semantics<core_parallel>, #tpu.dimension_semantics<subcore_parallel>], iteration_bounds = array<i64: 1, 16>, scalar_prefetch = 0 : i64, scratch_operands = 10 : i64, tpu.core_type = #tpu.core_type<sc_vector_subcore>, window_params = [{transform_indices = #map}, {transform_indices = #map1}, {transform_indices = #map1}, {transform_indices = #map2}, {transform_indices = #map2}]} {
    %mul3A = arith.constant 1 : i32
    %mul3A_0 = arith.muli %arg1, %mul3A : i32
    %add3A = arith.addi %mul3A_0, %arg0 : i32
    %mul3A_1 = arith.constant 20000 : i32
    %mul3A_2 = arith.muli %add3A, %mul3A_1 : i32
    %add3A_3 = arith.constant 320000 : i32
    %add3A_4 = arith.addi %add3A_3, %mul3A_2 : i32
    %dma_start3A = tpu.memref_slice %arg3[%add3A_4] : memref<640000xi32, #tpu.memory_space<hbm>> -> memref<20000xi32, #tpu.memory_space<hbm>>
    %dma_start3A_5 = tpu.memref_slice %arg3[%add3A_4] : memref<640000xi32, #tpu.memory_space<hbm>> -> memref<20000xi32, #tpu.memory_space<hbm>>
    tpu.enqueue_dma source(%dma_start3A_5 : memref<20000xi32, #tpu.memory_space<hbm>>) target(%arg7 : memref<20000xi32, #tpu.memory_space<vmem>>) target_semaphore(%arg16 : memref<!tpu.dma_semaphore, #tpu.memory_space<semaphore_mem>>)
    %eq3A = arith.constant 0 : i32
    %eq3A_6 = arith.cmpi eq, %arg1, %eq3A : i32
    %convert_element_type3A = arith.extui %eq3A_6 : i1 to i32
    %cond3A = arith.constant 0 : i32
    %cond3A_7 = arith.cmpi ne, %convert_element_type3A, %cond3A : i32
    scf.if %cond3A_7 {
      %broadcast_in_dim3A_47 = arith.constant 0.000000e+00 : f32
      %broadcast_in_dim3A_48 = vector.broadcast %broadcast_in_dim3A_47 : f32 to vector<16xf32>
      %swap3A_49 = arith.constant 0 : i32
      %swap3A_50 = arith.index_cast %swap3A_49 : i32 to index
      %swap3A_51 = arith.constant 0 : index
      %swap3A_52 = tpu.vector_load %arg14[%swap3A_50, %swap3A_51] {strides = array<i32>} : memref<6x128xf32, #tpu.memory_space<vmem>>, vector<16xf32>,
      tpu.vector_store %arg14[%swap3A_50, %swap3A_51], %broadcast_in_dim3A_48 {strides = array<i32>} : memref<6x128xf32, #tpu.memory_space<vmem>>, vector<16xf32>,
      %broadcast_in_dim3A_53 = arith.constant 0.000000e+00 : f32
      %broadcast_in_dim3A_54 = vector.broadcast %broadcast_in_dim3A_53 : f32 to vector<16xf32>
      %swap3A_55 = arith.constant 0 : i32
      %swap3A_56 = arith.index_cast %swap3A_55 : i32 to index
      %swap3A_57 = arith.constant 16 : index
      %swap3A_58 = tpu.vector_load %arg14[%swap3A_56, %swap3A_57] {strides = array<i32>} : memref<6x128xf32, #tpu.memory_space<vmem>>, vector<16xf32>,
      tpu.vector_store %arg14[%swap3A_56, %swap3A_57], %broadcast_in_dim3A_54 {strides = array<i32>} : memref<6x128xf32, #tpu.memory_space<vmem>>, vector<16xf32>,
      %broadcast_in_dim3A_59 = arith.constant 0.000000e+00 : f32
      %broadcast_in_dim3A_60 = vector.broadcast %broadcast_in_dim3A_59 : f32 to vector<16xf32>
      %swap3A_61 = arith.constant 0 : i32
      %swap3A_62 = arith.index_cast %swap3A_61 : i32 to index
      %swap3A_63 = arith.constant 32 : index
      %swap3A_64 = tpu.vector_load %arg14[%swap3A_62, %swap3A_63] {strides = array<i32>} : memref<6x128xf32, #tpu.memory_space<vmem>>, vector<16xf32>,
      tpu.vector_store %arg14[%swap3A_62, %swap3A_63], %broadcast_in_dim3A_60 {strides = array<i32>} : memref<6x128xf32, #tpu.memory_space<vmem>>, vector<16xf32>,
      %broadcast_in_dim3A_65 = arith.constant 0.000000e+00 : f32
      %broadcast_in_dim3A_66 = vector.broadcast %broadcast_in_dim3A_65 : f32 to vector<16xf32>
      %swap3A_67 = arith.constant 0 : i32
      %swap3A_68 = arith.index_cast %swap3A_67 : i32 to index
      %swap3A_69 = arith.constant 48 : index
      %swap3A_70 = tpu.vector_load %arg14[%swap3A_68, %swap3A_69] {strides = array<i32>} : memref<6x128xf32, #tpu.memory_space<vmem>>, vector<16xf32>,
      tpu.vector_store %arg14[%swap3A_68, %swap3A_69], %broadcast_in_dim3A_66 {strides = array<i32>} : memref<6x128xf32, #tpu.memory_space<vmem>>, vector<16xf32>,
      %broadcast_in_dim3A_71 = arith.constant 0.000000e+00 : f32
      %broadcast_in_dim3A_72 = vector.broadcast %broadcast_in_dim3A_71 : f32 to vector<16xf32>
      %swap3A_73 = arith.constant 0 : i32
      %swap3A_74 = arith.index_cast %swap3A_73 : i32 to index
      %swap3A_75 = arith.constant 64 : index
      %swap3A_76 = tpu.vector_load %arg14[%swap3A_74, %swap3A_75] {strides = array<i32>} : memref<6x128xf32, #tpu.memory_space<vmem>>, vector<16xf32>,
      tpu.vector_store %arg14[%swap3A_74, %swap3A_75], %broadcast_in_dim3A_72 {strides = array<i32>} : memref<6x128xf32, #tpu.memory_space<vmem>>, vector<16xf32>,
      %broadcast_in_dim3A_77 = arith.constant 0.000000e+00 : f32
      %broadcast_in_dim3A_78 = vector.broadcast %broadcast_in_dim3A_77 : f32 to vector<16xf32>
      %swap3A_79 = arith.constant 0 : i32
      %swap3A_80 = arith.index_cast %swap3A_79 : i32 to index
      %swap3A_81 = arith.constant 80 : index
      %swap3A_82 = tpu.vector_load %arg14[%swap3A_80, %swap3A_81] {strides = array<i32>} : memref<6x128xf32, #tpu.memory_space<vmem>>, vector<16xf32>,
      tpu.vector_store %arg14[%swap3A_80, %swap3A_81], %broadcast_in_dim3A_78 {strides = array<i32>} : memref<6x128xf32, #tpu.memory_space<vmem>>, vector<16xf32>,
      %broadcast_in_dim3A_83 = arith.constant 0.000000e+00 : f32
      %broadcast_in_dim3A_84 = vector.broadcast %broadcast_in_dim3A_83 : f32 to vector<16xf32>
      %swap3A_85 = arith.constant 0 : i32
      %swap3A_86 = arith.index_cast %swap3A_85 : i32 to index
      %swap3A_87 = arith.constant 96 : index
      %swap3A_88 = tpu.vector_load %arg14[%swap3A_86, %swap3A_87] {strides = array<i32>} : memref<6x128xf32, #tpu.memory_space<vmem>>, vector<16xf32>,
      tpu.vector_store %arg14[%swap3A_86, %swap3A_87], %broadcast_in_dim3A_84 {strides = array<i32>} : memref<6x128xf32, #tpu.memory_space<vmem>>, vector<16xf32>,
      %broadcast_in_dim3A_89 = arith.constant 0.000000e+00 : f32
      %broadcast_in_dim3A_90 = vector.broadcast %broadcast_in_dim3A_89 : f32 to vector<16xf32>
      %swap3A_91 = arith.constant 0 : i32
      %swap3A_92 = arith.index_cast %swap3A_91 : i32 to index
      %swap3A_93 = arith.constant 112 : index
      %swap3A_94 = tpu.vector_load %arg14[%swap3A_92, %swap3A_93] {strides = array<i32>} : memref<6x128xf32, #tpu.memory_space<vmem>>, vector<16xf32>,
      tpu.vector_store %arg14[%swap3A_92, %swap3A_93], %broadcast_in_dim3A_90 {strides = array<i32>} : memref<6x128xf32, #tpu.memory_space<vmem>>, vector<16xf32>,
      %broadcast_in_dim3A_95 = arith.constant 0.000000e+00 : f32
      %broadcast_in_dim3A_96 = vector.broadcast %broadcast_in_dim3A_95 : f32 to vector<16xf32>
      %swap3A_97 = arith.constant 1 : i32
      %swap3A_98 = arith.index_cast %swap3A_97 : i32 to index
      %swap3A_99 = arith.constant 0 : index
      %swap3A_100 = tpu.vector_load %arg14[%swap3A_98, %swap3A_99] {strides = array<i32>} : memref<6x128xf32, #tpu.memory_space<vmem>>, vector<16xf32>,
      tpu.vector_store %arg14[%swap3A_98, %swap3A_99], %broadcast_in_dim3A_96 {strides = array<i32>} : memref<6x128xf32, #tpu.memory_space<vmem>>, vector<16xf32>,
      %broadcast_in_dim3A_101 = arith.constant 0.000000e+00 : f32
      %broadcast_in_dim3A_102 = vector.broadcast %broadcast_in_dim3A_101 : f32 to vector<16xf32>
      %swap3A_103 = arith.constant 1 : i32
      %swap3A_104 = arith.index_cast %swap3A_103 : i32 to index
      %swap3A_105 = arith.constant 16 : index
      %swap3A_106 = tpu.vector_load %arg14[%swap3A_104, %swap3A_105] {strides = array<i32>} : memref<6x128xf32, #tpu.memory_space<vmem>>, vector<16xf32>,
      tpu.vector_store %arg14[%swap3A_104, %swap3A_105], %broadcast_in_dim3A_102 {strides = array<i32>} : memref<6x128xf32, #tpu.memory_space<vmem>>, vector<16xf32>,
      %broadcast_in_dim3A_107 = arith.constant 0.000000e+00 : f32
      %broadcast_in_dim3A_108 = vector.broadcast %broadcast_in_dim3A_107 : f32 to vector<16xf32>
      %swap3A_109 = arith.constant 1 : i32
      %swap3A_110 = arith.index_cast %swap3A_109 : i32 to index
      %swap3A_111 = arith.constant 32 : index
      %swap3A_112 = tpu.vector_load %arg14[%swap3A_110, %swap3A_111] {strides = array<i32>} : memref<6x128xf32, #tpu.memory_space<vmem>>, vector<16xf32>,
      tpu.vector_store %arg14[%swap3A_110, %swap3A_111], %broadcast_in_dim3A_108 {strides = array<i32>} : memref<6x128xf32, #tpu.memory_space<vmem>>, vector<16xf32>,
      %broadcast_in_dim3A_113 = arith.constant 0.000000e+00 : f32
      %broadcast_in_dim3A_114 = vector.broadcast %broadcast_in_dim3A_113 : f32 to vector<16xf32>
      %swap3A_115 = arith.constant 1 : i32
      %swap3A_116 = arith.index_cast %swap3A_115 : i32 to index
      %swap3A_117 = arith.constant 48 : index
      %swap3A_118 = tpu.vector_load %arg14[%swap3A_116, %swap3A_117] {strides = array<i32>} : memref<6x128xf32, #tpu.memory_space<vmem>>, vector<16xf32>,
      tpu.vector_store %arg14[%swap3A_116, %swap3A_117], %broadcast_in_dim3A_114 {strides = array<i32>} : memref<6x128xf32, #tpu.memory_space<vmem>>, vector<16xf32>,
      %broadcast_in_dim3A_119 = arith.constant 0.000000e+00 : f32
      %broadcast_in_dim3A_120 = vector.broadcast %broadcast_in_dim3A_119 : f32 to vector<16xf32>
      %swap3A_121 = arith.constant 1 : i32
      %swap3A_122 = arith.index_cast %swap3A_121 : i32 to index
      %swap3A_123 = arith.constant 64 : index
      %swap3A_124 = tpu.vector_load %arg14[%swap3A_122, %swap3A_123] {strides = array<i32>} : memref<6x128xf32, #tpu.memory_space<vmem>>, vector<16xf32>,
      tpu.vector_store %arg14[%swap3A_122, %swap3A_123], %broadcast_in_dim3A_120 {strides = array<i32>} : memref<6x128xf32, #tpu.memory_space<vmem>>, vector<16xf32>,
      %broadcast_in_dim3A_125 = arith.constant 0.000000e+00 : f32
      %broadcast_in_dim3A_126 = vector.broadcast %broadcast_in_dim3A_125 : f32 to vector<16xf32>
      %swap3A_127 = arith.constant 1 : i32
      %swap3A_128 = arith.index_cast %swap3A_127 : i32 to index
      %swap3A_129 = arith.constant 80 : index
      %swap3A_130 = tpu.vector_load %arg14[%swap3A_128, %swap3A_129] {strides = array<i32>} : memref<6x128xf32, #tpu.memory_space<vmem>>, vector<16xf32>,
      tpu.vector_store %arg14[%swap3A_128, %swap3A_129], %broadcast_in_dim3A_126 {strides = array<i32>} : memref<6x128xf32, #tpu.memory_space<vmem>>, vector<16xf32>,
      %broadcast_in_dim3A_131 = arith.constant 0.000000e+00 : f32
      %broadcast_in_dim3A_132 = vector.broadcast %broadcast_in_dim3A_131 : f32 to vector<16xf32>
      %swap3A_133 = arith.constant 1 : i32
      %swap3A_134 = arith.index_cast %swap3A_133 : i32 to index
      %swap3A_135 = arith.constant 96 : index
      %swap3A_136 = tpu.vector_load %arg14[%swap3A_134, %swap3A_135] {strides = array<i32>} : memref<6x128xf32, #tpu.memory_space<vmem>>, vector<16xf32>,
      tpu.vector_store %arg14[%swap3A_134, %swap3A_135], %broadcast_in_dim3A_132 {strides = array<i32>} : memref<6x128xf32, #tpu.memory_space<vmem>>, vector<16xf32>,
      %broadcast_in_dim3A_137 = arith.constant 0.000000e+00 : f32
      %broadcast_in_dim3A_138 = vector.broadcast %broadcast_in_dim3A_137 : f32 to vector<16xf32>
      %swap3A_139 = arith.constant 1 : i32
      %swap3A_140 = arith.index_cast %swap3A_139 : i32 to index
      %swap3A_141 = arith.constant 112 : index
      %swap3A_142 = tpu.vector_load %arg14[%swap3A_140, %swap3A_141] {strides = array<i32>} : memref<6x128xf32, #tpu.memory_space<vmem>>, vector<16xf32>,
      tpu.vector_store %arg14[%swap3A_140, %swap3A_141], %broadcast_in_dim3A_138 {strides = array<i32>} : memref<6x128xf32, #tpu.memory_space<vmem>>, vector<16xf32>,
      %broadcast_in_dim3A_143 = arith.constant 0.000000e+00 : f32
      %broadcast_in_dim3A_144 = vector.broadcast %broadcast_in_dim3A_143 : f32 to vector<16xf32>
      %swap3A_145 = arith.constant 2 : i32
      %swap3A_146 = arith.index_cast %swap3A_145 : i32 to index
      %swap3A_147 = arith.constant 0 : index
      %swap3A_148 = tpu.vector_load %arg14[%swap3A_146, %swap3A_147] {strides = array<i32>} : memref<6x128xf32, #tpu.memory_space<vmem>>, vector<16xf32>,
      tpu.vector_store %arg14[%swap3A_146, %swap3A_147], %broadcast_in_dim3A_144 {strides = array<i32>} : memref<6x128xf32, #tpu.memory_space<vmem>>, vector<16xf32>,
      %broadcast_in_dim3A_149 = arith.constant 0.000000e+00 : f32
      %broadcast_in_dim3A_150 = vector.broadcast %broadcast_in_dim3A_149 : f32 to vector<16xf32>
      %swap3A_151 = arith.constant 2 : i32
      %swap3A_152 = arith.index_cast %swap3A_151 : i32 to index
      %swap3A_153 = arith.constant 16 : index
      %swap3A_154 = tpu.vector_load %arg14[%swap3A_152, %swap3A_153] {strides = array<i32>} : memref<6x128xf32, #tpu.memory_space<vmem>>, vector<16xf32>,
      tpu.vector_store %arg14[%swap3A_152, %swap3A_153], %broadcast_in_dim3A_150 {strides = array<i32>} : memref<6x128xf32, #tpu.memory_space<vmem>>, vector<16xf32>,
      %broadcast_in_dim3A_155 = arith.constant 0.000000e+00 : f32
      %broadcast_in_dim3A_156 = vector.broadcast %broadcast_in_dim3A_155 : f32 to vector<16xf32>
      %swap3A_157 = arith.constant 2 : i32
      %swap3A_158 = arith.index_cast %swap3A_157 : i32 to index
      %swap3A_159 = arith.constant 32 : index
      %swap3A_160 = tpu.vector_load %arg14[%swap3A_158, %swap3A_159] {strides = array<i32>} : memref<6x128xf32, #tpu.memory_space<vmem>>, vector<16xf32>,
      tpu.vector_store %arg14[%swap3A_158, %swap3A_159], %broadcast_in_dim3A_156 {strides = array<i32>} : memref<6x128xf32, #tpu.memory_space<vmem>>, vector<16xf32>,
      %broadcast_in_dim3A_161 = arith.constant 0.000000e+00 : f32
      %broadcast_in_dim3A_162 = vector.broadcast %broadcast_in_dim3A_161 : f32 to vector<16xf32>
      %swap3A_163 = arith.constant 2 : i32
      %swap3A_164 = arith.index_cast %swap3A_163 : i32 to index
      %swap3A_165 = arith.constant 48 : index
      %swap3A_166 = tpu.vector_load %arg14[%swap3A_164, %swap3A_165] {strides = array<i32>} : memref<6x128xf32, #tpu.memory_space<vmem>>, vector<16xf32>,
      tpu.vector_store %arg14[%swap3A_164, %swap3A_165], %broadcast_in_dim3A_162 {strides = array<i32>} : memref<6x128xf32, #tpu.memory_space<vmem>>, vector<16xf32>,
      %broadcast_in_dim3A_167 = arith.constant 0.000000e+00 : f32
      %broadcast_in_dim3A_168 = vector.broadcast %broadcast_in_dim3A_167 : f32 to vector<16xf32>
      %swap3A_169 = arith.constant 2 : i32
      %swap3A_170 = arith.index_cast %swap3A_169 : i32 to index
      %swap3A_171 = arith.constant 64 : index
      %swap3A_172 = tpu.vector_load %arg14[%swap3A_170, %swap3A_171] {strides = array<i32>} : memref<6x128xf32, #tpu.memory_space<vmem>>, vector<16xf32>,
      tpu.vector_store %arg14[%swap3A_170, %swap3A_171], %broadcast_in_dim3A_168 {strides = array<i32>} : memref<6x128xf32, #tpu.memory_space<vmem>>, vector<16xf32>,
      %broadcast_in_dim3A_173 = arith.constant 0.000000e+00 : f32
      %broadcast_in_dim3A_174 = vector.broadcast %broadcast_in_dim3A_173 : f32 to vector<16xf32>
      %swap3A_175 = arith.constant 2 : i32
      %swap3A_176 = arith.index_cast %swap3A_175 : i32 to index
      %swap3A_177 = arith.constant 80 : index
      %swap3A_178 = tpu.vector_load %arg14[%swap3A_176, %swap3A_177] {strides = array<i32>} : memref<6x128xf32, #tpu.memory_space<vmem>>, vector<16xf32>,
      tpu.vector_store %arg14[%swap3A_176, %swap3A_177], %broadcast_in_dim3A_174 {strides = array<i32>} : memref<6x128xf32, #tpu.memory_space<vmem>>, vector<16xf32>,
      %broadcast_in_dim3A_179 = arith.constant 0.000000e+00 : f32
      %broadcast_in_dim3A_180 = vector.broadcast %broadcast_in_dim3A_179 : f32 to vector<16xf32>
      %swap3A_181 = arith.constant 2 : i32
      %swap3A_182 = arith.index_cast %swap3A_181 : i32 to index
      %swap3A_183 = arith.constant 96 : index
      %swap3A_184 = tpu.vector_load %arg14[%swap3A_182, %swap3A_183] {strides = array<i32>} : memref<6x128xf32, #tpu.memory_space<vmem>>, vector<16xf32>,
      tpu.vector_store %arg14[%swap3A_182, %swap3A_183], %broadcast_in_dim3A_180 {strides = array<i32>} : memref<6x128xf32, #tpu.memory_space<vmem>>, vector<16xf32>,
      %broadcast_in_dim3A_185 = arith.constant 0.000000e+00 : f32
      %broadcast_in_dim3A_186 = vector.broadcast %broadcast_in_dim3A_185 : f32 to vector<16xf32>
      %swap3A_187 = arith.constant 2 : i32
      %swap3A_188 = arith.index_cast %swap3A_187 : i32 to index
      %swap3A_189 = arith.constant 112 : index
      %swap3A_190 = tpu.vector_load %arg14[%swap3A_188, %swap3A_189] {strides = array<i32>} : memref<6x128xf32, #tpu.memory_space<vmem>>, vector<16xf32>,
      tpu.vector_store %arg14[%swap3A_188, %swap3A_189], %broadcast_in_dim3A_186 {strides = array<i32>} : memref<6x128xf32, #tpu.memory_space<vmem>>, vector<16xf32>,
      %broadcast_in_dim3A_191 = arith.constant 0.000000e+00 : f32
      %broadcast_in_dim3A_192 = vector.broadcast %broadcast_in_dim3A_191 : f32 to vector<16xf32>
      %swap3A_193 = arith.constant 3 : i32
      %swap3A_194 = arith.index_cast %swap3A_193 : i32 to index
      %swap3A_195 = arith.constant 0 : index
      %swap3A_196 = tpu.vector_load %arg14[%swap3A_194, %swap3A_195] {strides = array<i32>} : memref<6x128xf32, #tpu.memory_space<vmem>>, vector<16xf32>,
      tpu.vector_store %arg14[%swap3A_194, %swap3A_195], %broadcast_in_dim3A_192 {strides = array<i32>} : memref<6x128xf32, #tpu.memory_space<vmem>>, vector<16xf32>,
      %broadcast_in_dim3A_197 = arith.constant 0.000000e+00 : f32
      %broadcast_in_dim3A_198 = vector.broadcast %broadcast_in_dim3A_197 : f32 to vector<16xf32>
      %swap3A_199 = arith.constant 3 : i32
      %swap3A_200 = arith.index_cast %swap3A_199 : i32 to index
      %swap3A_201 = arith.constant 16 : index
      %swap3A_202 = tpu.vector_load %arg14[%swap3A_200, %swap3A_201] {strides = array<i32>} : memref<6x128xf32, #tpu.memory_space<vmem>>, vector<16xf32>,
      tpu.vector_store %arg14[%swap3A_200, %swap3A_201], %broadcast_in_dim3A_198 {strides = array<i32>} : memref<6x128xf32, #tpu.memory_space<vmem>>, vector<16xf32>,
      %broadcast_in_dim3A_203 = arith.constant 0.000000e+00 : f32
      %broadcast_in_dim3A_204 = vector.broadcast %broadcast_in_dim3A_203 : f32 to vector<16xf32>
      %swap3A_205 = arith.constant 3 : i32
      %swap3A_206 = arith.index_cast %swap3A_205 : i32 to index
      %swap3A_207 = arith.constant 32 : index
      %swap3A_208 = tpu.vector_load %arg14[%swap3A_206, %swap3A_207] {strides = array<i32>} : memref<6x128xf32, #tpu.memory_space<vmem>>, vector<16xf32>,
      tpu.vector_store %arg14[%swap3A_206, %swap3A_207], %broadcast_in_dim3A_204 {strides = array<i32>} : memref<6x128xf32, #tpu.memory_space<vmem>>, vector<16xf32>,
      %broadcast_in_dim3A_209 = arith.constant 0.000000e+00 : f32
      %broadcast_in_dim3A_210 = vector.broadcast %broadcast_in_dim3A_209 : f32 to vector<16xf32>
      %swap3A_211 = arith.constant 3 : i32
      %swap3A_212 = arith.index_cast %swap3A_211 : i32 to index
      %swap3A_213 = arith.constant 48 : index
      %swap3A_214 = tpu.vector_load %arg14[%swap3A_212, %swap3A_213] {strides = array<i32>} : memref<6x128xf32, #tpu.memory_space<vmem>>, vector<16xf32>,
      tpu.vector_store %arg14[%swap3A_212, %swap3A_213], %broadcast_in_dim3A_210 {strides = array<i32>} : memref<6x128xf32, #tpu.memory_space<vmem>>, vector<16xf32>,
      %broadcast_in_dim3A_215 = arith.constant 0.000000e+00 : f32
      %broadcast_in_dim3A_216 = vector.broadcast %broadcast_in_dim3A_215 : f32 to vector<16xf32>
      %swap3A_217 = arith.constant 3 : i32
      %swap3A_218 = arith.index_cast %swap3A_217 : i32 to index
      %swap3A_219 = arith.constant 64 : index
      %swap3A_220 = tpu.vector_load %arg14[%swap3A_218, %swap3A_219] {strides = array<i32>} : memref<6x128xf32, #tpu.memory_space<vmem>>, vector<16xf32>,
      tpu.vector_store %arg14[%swap3A_218, %swap3A_219], %broadcast_in_dim3A_216 {strides = array<i32>} : memref<6x128xf32, #tpu.memory_space<vmem>>, vector<16xf32>,
      %broadcast_in_dim3A_221 = arith.constant 0.000000e+00 : f32
      %broadcast_in_dim3A_222 = vector.broadcast %broadcast_in_dim3A_221 : f32 to vector<16xf32>
      %swap3A_223 = arith.constant 3 : i32
      %swap3A_224 = arith.index_cast %swap3A_223 : i32 to index
      %swap3A_225 = arith.constant 80 : index
      %swap3A_226 = tpu.vector_load %arg14[%swap3A_224, %swap3A_225] {strides = array<i32>} : memref<6x128xf32, #tpu.memory_space<vmem>>, vector<16xf32>,
      tpu.vector_store %arg14[%swap3A_224, %swap3A_225], %broadcast_in_dim3A_222 {strides = array<i32>} : memref<6x128xf32, #tpu.memory_space<vmem>>, vector<16xf32>,
      %broadcast_in_dim3A_227 = arith.constant 0.000000e+00 : f32
      %broadcast_in_dim3A_228 = vector.broadcast %broadcast_in_dim3A_227 : f32 to vector<16xf32>
      %swap3A_229 = arith.constant 3 : i32
      %swap3A_230 = arith.index_cast %swap3A_229 : i32 to index
      %swap3A_231 = arith.constant 96 : index
      %swap3A_232 = tpu.vector_load %arg14[%swap3A_230, %swap3A_231] {strides = array<i32>} : memref<6x128xf32, #tpu.memory_space<vmem>>, vector<16xf32>,
      tpu.vector_store %arg14[%swap3A_230, %swap3A_231], %broadcast_in_dim3A_228 {strides = array<i32>} : memref<6x128xf32, #tpu.memory_space<vmem>>, vector<16xf32>,
      %broadcast_in_dim3A_233 = arith.constant 0.000000e+00 : f32
      %broadcast_in_dim3A_234 = vector.broadcast %broadcast_in_dim3A_233 : f32 to vector<16xf32>
      %swap3A_235 = arith.constant 3 : i32
      %swap3A_236 = arith.index_cast %swap3A_235 : i32 to index
      %swap3A_237 = arith.constant 112 : index
      %swap3A_238 = tpu.vector_load %arg14[%swap3A_236, %swap3A_237] {strides = array<i32>} : memref<6x128xf32, #tpu.memory_space<vmem>>, vector<16xf32>,
      tpu.vector_store %arg14[%swap3A_236, %swap3A_237], %broadcast_in_dim3A_234 {strides = array<i32>} : memref<6x128xf32, #tpu.memory_space<vmem>>, vector<16xf32>,
      %broadcast_in_dim3A_239 = arith.constant 0.000000e+00 : f32
      %broadcast_in_dim3A_240 = vector.broadcast %broadcast_in_dim3A_239 : f32 to vector<16xf32>
      %swap3A_241 = arith.constant 4 : i32
      %swap3A_242 = arith.index_cast %swap3A_241 : i32 to index
      %swap3A_243 = arith.constant 0 : index
      %swap3A_244 = tpu.vector_load %arg14[%swap3A_242, %swap3A_243] {strides = array<i32>} : memref<6x128xf32, #tpu.memory_space<vmem>>, vector<16xf32>,
      tpu.vector_store %arg14[%swap3A_242, %swap3A_243], %broadcast_in_dim3A_240 {strides = array<i32>} : memref<6x128xf32, #tpu.memory_space<vmem>>, vector<16xf32>,
      %broadcast_in_dim3A_245 = arith.constant 0.000000e+00 : f32
      %broadcast_in_dim3A_246 = vector.broadcast %broadcast_in_dim3A_245 : f32 to vector<16xf32>
      %swap3A_247 = arith.constant 4 : i32
      %swap3A_248 = arith.index_cast %swap3A_247 : i32 to index
      %swap3A_249 = arith.constant 16 : index
      %swap3A_250 = tpu.vector_load %arg14[%swap3A_248, %swap3A_249] {strides = array<i32>} : memref<6x128xf32, #tpu.memory_space<vmem>>, vector<16xf32>,
      tpu.vector_store %arg14[%swap3A_248, %swap3A_249], %broadcast_in_dim3A_246 {strides = array<i32>} : memref<6x128xf32, #tpu.memory_space<vmem>>, vector<16xf32>,
      %broadcast_in_dim3A_251 = arith.constant 0.000000e+00 : f32
      %broadcast_in_dim3A_252 = vector.broadcast %broadcast_in_dim3A_251 : f32 to vector<16xf32>
      %swap3A_253 = arith.constant 4 : i32
      %swap3A_254 = arith.index_cast %swap3A_253 : i32 to index
      %swap3A_255 = arith.constant 32 : index
      %swap3A_256 = tpu.vector_load %arg14[%swap3A_254, %swap3A_255] {strides = array<i32>} : memref<6x128xf32, #tpu.memory_space<vmem>>, vector<16xf32>,
      tpu.vector_store %arg14[%swap3A_254, %swap3A_255], %broadcast_in_dim3A_252 {strides = array<i32>} : memref<6x128xf32, #tpu.memory_space<vmem>>, vector<16xf32>,
      %broadcast_in_dim3A_257 = arith.constant 0.000000e+00 : f32
      %broadcast_in_dim3A_258 = vector.broadcast %broadcast_in_dim3A_257 : f32 to vector<16xf32>
      %swap3A_259 = arith.constant 4 : i32
      %swap3A_260 = arith.index_cast %swap3A_259 : i32 to index
      %swap3A_261 = arith.constant 48 : index
      %swap3A_262 = tpu.vector_load %arg14[%swap3A_260, %swap3A_261] {strides = array<i32>} : memref<6x128xf32, #tpu.memory_space<vmem>>, vector<16xf32>,
      tpu.vector_store %arg14[%swap3A_260, %swap3A_261], %broadcast_in_dim3A_258 {strides = array<i32>} : memref<6x128xf32, #tpu.memory_space<vmem>>, vector<16xf32>,
      %broadcast_in_dim3A_263 = arith.constant 0.000000e+00 : f32
      %broadcast_in_dim3A_264 = vector.broadcast %broadcast_in_dim3A_263 : f32 to vector<16xf32>
      %swap3A_265 = arith.constant 4 : i32
      %swap3A_266 = arith.index_cast %swap3A_265 : i32 to index
      %swap3A_267 = arith.constant 64 : index
      %swap3A_268 = tpu.vector_load %arg14[%swap3A_266, %swap3A_267] {strides = array<i32>} : memref<6x128xf32, #tpu.memory_space<vmem>>, vector<16xf32>,
      tpu.vector_store %arg14[%swap3A_266, %swap3A_267], %broadcast_in_dim3A_264 {strides = array<i32>} : memref<6x128xf32, #tpu.memory_space<vmem>>, vector<16xf32>,
      %broadcast_in_dim3A_269 = arith.constant 0.000000e+00 : f32
      %broadcast_in_dim3A_270 = vector.broadcast %broadcast_in_dim3A_269 : f32 to vector<16xf32>
      %swap3A_271 = arith.constant 4 : i32
      %swap3A_272 = arith.index_cast %swap3A_271 : i32 to index
      %swap3A_273 = arith.constant 80 : index
      %swap3A_274 = tpu.vector_load %arg14[%swap3A_272, %swap3A_273] {strides = array<i32>} : memref<6x128xf32, #tpu.memory_space<vmem>>, vector<16xf32>,
      tpu.vector_store %arg14[%swap3A_272, %swap3A_273], %broadcast_in_dim3A_270 {strides = array<i32>} : memref<6x128xf32, #tpu.memory_space<vmem>>, vector<16xf32>,
      %broadcast_in_dim3A_275 = arith.constant 0.000000e+00 : f32
      %broadcast_in_dim3A_276 = vector.broadcast %broadcast_in_dim3A_275 : f32 to vector<16xf32>
      %swap3A_277 = arith.constant 4 : i32
      %swap3A_278 = arith.index_cast %swap3A_277 : i32 to index
      %swap3A_279 = arith.constant 96 : index
      %swap3A_280 = tpu.vector_load %arg14[%swap3A_278, %swap3A_279] {strides = array<i32>} : memref<6x128xf32, #tpu.memory_space<vmem>>, vector<16xf32>,
      tpu.vector_store %arg14[%swap3A_278, %swap3A_279], %broadcast_in_dim3A_276 {strides = array<i32>} : memref<6x128xf32, #tpu.memory_space<vmem>>, vector<16xf32>,
      %broadcast_in_dim3A_281 = arith.constant 0.000000e+00 : f32
      %broadcast_in_dim3A_282 = vector.broadcast %broadcast_in_dim3A_281 : f32 to vector<16xf32>
      %swap3A_283 = arith.constant 4 : i32
      %swap3A_284 = arith.index_cast %swap3A_283 : i32 to index
      %swap3A_285 = arith.constant 112 : index
      %swap3A_286 = tpu.vector_load %arg14[%swap3A_284, %swap3A_285] {strides = array<i32>} : memref<6x128xf32, #tpu.memory_space<vmem>>, vector<16xf32>,
      tpu.vector_store %arg14[%swap3A_284, %swap3A_285], %broadcast_in_dim3A_282 {strides = array<i32>} : memref<6x128xf32, #tpu.memory_space<vmem>>, vector<16xf32>,
      %broadcast_in_dim3A_287 = arith.constant 0.000000e+00 : f32
      %broadcast_in_dim3A_288 = vector.broadcast %broadcast_in_dim3A_287 : f32 to vector<16xf32>
      %swap3A_289 = arith.constant 5 : i32
      %swap3A_290 = arith.index_cast %swap3A_289 : i32 to index
      %swap3A_291 = arith.constant 0 : index
      %swap3A_292 = tpu.vector_load %arg14[%swap3A_290, %swap3A_291] {strides = array<i32>} : memref<6x128xf32, #tpu.memory_space<vmem>>, vector<16xf32>,
      tpu.vector_store %arg14[%swap3A_290, %swap3A_291], %broadcast_in_dim3A_288 {strides = array<i32>} : memref<6x128xf32, #tpu.memory_space<vmem>>, vector<16xf32>,
      %broadcast_in_dim3A_293 = arith.constant 0.000000e+00 : f32
      %broadcast_in_dim3A_294 = vector.broadcast %broadcast_in_dim3A_293 : f32 to vector<16xf32>
      %swap3A_295 = arith.constant 5 : i32
      %swap3A_296 = arith.index_cast %swap3A_295 : i32 to index
      %swap3A_297 = arith.constant 16 : index
      %swap3A_298 = tpu.vector_load %arg14[%swap3A_296, %swap3A_297] {strides = array<i32>} : memref<6x128xf32, #tpu.memory_space<vmem>>, vector<16xf32>,
      tpu.vector_store %arg14[%swap3A_296, %swap3A_297], %broadcast_in_dim3A_294 {strides = array<i32>} : memref<6x128xf32, #tpu.memory_space<vmem>>, vector<16xf32>,
      %broadcast_in_dim3A_299 = arith.constant 0.000000e+00 : f32
      %broadcast_in_dim3A_300 = vector.broadcast %broadcast_in_dim3A_299 : f32 to vector<16xf32>
      %swap3A_301 = arith.constant 5 : i32
      %swap3A_302 = arith.index_cast %swap3A_301 : i32 to index
      %swap3A_303 = arith.constant 32 : index
      %swap3A_304 = tpu.vector_load %arg14[%swap3A_302, %swap3A_303] {strides = array<i32>} : memref<6x128xf32, #tpu.memory_space<vmem>>, vector<16xf32>,
      tpu.vector_store %arg14[%swap3A_302, %swap3A_303], %broadcast_in_dim3A_300 {strides = array<i32>} : memref<6x128xf32, #tpu.memory_space<vmem>>, vector<16xf32>,
      %broadcast_in_dim3A_305 = arith.constant 0.000000e+00 : f32
      %broadcast_in_dim3A_306 = vector.broadcast %broadcast_in_dim3A_305 : f32 to vector<16xf32>
      %swap3A_307 = arith.constant 5 : i32
      %swap3A_308 = arith.index_cast %swap3A_307 : i32 to index
      %swap3A_309 = arith.constant 48 : index
      %swap3A_310 = tpu.vector_load %arg14[%swap3A_308, %swap3A_309] {strides = array<i32>} : memref<6x128xf32, #tpu.memory_space<vmem>>, vector<16xf32>,
      tpu.vector_store %arg14[%swap3A_308, %swap3A_309], %broadcast_in_dim3A_306 {strides = array<i32>} : memref<6x128xf32, #tpu.memory_space<vmem>>, vector<16xf32>,
      %broadcast_in_dim3A_311 = arith.constant 0.000000e+00 : f32
      %broadcast_in_dim3A_312 = vector.broadcast %broadcast_in_dim3A_311 : f32 to vector<16xf32>
      %swap3A_313 = arith.constant 5 : i32
      %swap3A_314 = arith.index_cast %swap3A_313 : i32 to index
      %swap3A_315 = arith.constant 64 : index
      %swap3A_316 = tpu.vector_load %arg14[%swap3A_314, %swap3A_315] {strides = array<i32>} : memref<6x128xf32, #tpu.memory_space<vmem>>, vector<16xf32>,
      tpu.vector_store %arg14[%swap3A_314, %swap3A_315], %broadcast_in_dim3A_312 {strides = array<i32>} : memref<6x128xf32, #tpu.memory_space<vmem>>, vector<16xf32>,
      %broadcast_in_dim3A_317 = arith.constant 0.000000e+00 : f32
      %broadcast_in_dim3A_318 = vector.broadcast %broadcast_in_dim3A_317 : f32 to vector<16xf32>
      %swap3A_319 = arith.constant 5 : i32
      %swap3A_320 = arith.index_cast %swap3A_319 : i32 to index
      %swap3A_321 = arith.constant 80 : index
      %swap3A_322 = tpu.vector_load %arg14[%swap3A_320, %swap3A_321] {strides = array<i32>} : memref<6x128xf32, #tpu.memory_space<vmem>>, vector<16xf32>,
      tpu.vector_store %arg14[%swap3A_320, %swap3A_321], %broadcast_in_dim3A_318 {strides = array<i32>} : memref<6x128xf32, #tpu.memory_space<vmem>>, vector<16xf32>,
      %broadcast_in_dim3A_323 = arith.constant 0.000000e+00 : f32
      %broadcast_in_dim3A_324 = vector.broadcast %broadcast_in_dim3A_323 : f32 to vector<16xf32>
      %swap3A_325 = arith.constant 5 : i32
      %swap3A_326 = arith.index_cast %swap3A_325 : i32 to index
      %swap3A_327 = arith.constant 96 : index
      %swap3A_328 = tpu.vector_load %arg14[%swap3A_326, %swap3A_327] {strides = array<i32>} : memref<6x128xf32, #tpu.memory_space<vmem>>, vector<16xf32>,
      tpu.vector_store %arg14[%swap3A_326, %swap3A_327], %broadcast_in_dim3A_324 {strides = array<i32>} : memref<6x128xf32, #tpu.memory_space<vmem>>, vector<16xf32>,
      %broadcast_in_dim3A_329 = arith.constant 0.000000e+00 : f32
      %broadcast_in_dim3A_330 = vector.broadcast %broadcast_in_dim3A_329 : f32 to vector<16xf32>
      %swap3A_331 = arith.constant 5 : i32
      %swap3A_332 = arith.index_cast %swap3A_331 : i32 to index
      %swap3A_333 = arith.constant 112 : index
      %swap3A_334 = tpu.vector_load %arg14[%swap3A_332, %swap3A_333] {strides = array<i32>} : memref<6x128xf32, #tpu.memory_space<vmem>>, vector<16xf32>,
      tpu.vector_store %arg14[%swap3A_332, %swap3A_333], %broadcast_in_dim3A_330 {strides = array<i32>} : memref<6x128xf32, #tpu.memory_space<vmem>>, vector<16xf32>,
      "tpu.region"() ({
        %run_scoped3A = tpu.sem_alloc : memref<!tpu.dma_semaphore, #tpu.memory_space<semaphore_mem>>
        tpu.enqueue_dma source(%arg14 : memref<6x128xf32, #tpu.memory_space<vmem>>) target(%arg15 : memref<6x128xf32, #tpu.memory_space<vmem_shared>>) target_semaphore(%run_scoped3A : memref<!tpu.dma_semaphore, #tpu.memory_space<semaphore_mem>>)
        tpu.wait_dma2 semaphore(%run_scoped3A : memref<!tpu.dma_semaphore, #tpu.memory_space<semaphore_mem>>) src(%arg14 : memref<6x128xf32, #tpu.memory_space<vmem>>) dst(%arg15 : memref<6x128xf32, #tpu.memory_space<vmem_shared>>)
        tpu.yield
      }) : () -> ()
    } else {
    }
    %broadcast_in_dim3A = arith.constant 0.000000e+00 : f32
    %broadcast_in_dim3A_8 = vector.broadcast %broadcast_in_dim3A : f32 to vector<16xf32>
    %swap3A = arith.constant 0 : i32
    %swap3A_9 = arith.index_cast %swap3A : i32 to index
    %swap3A_10 = arith.constant 0 : index
    %swap3A_11 = tpu.vector_load %arg13[%swap3A_9, %swap3A_10] {strides = array<i32>} : memref<5x16xf32, #tpu.memory_space<vmem>>, vector<16xf32>,
    tpu.vector_store %arg13[%swap3A_9, %swap3A_10], %broadcast_in_dim3A_8 {strides = array<i32>} : memref<5x16xf32, #tpu.memory_space<vmem>>, vector<16xf32>,
    %broadcast_in_dim3A_12 = arith.constant 0.000000e+00 : f32
    %broadcast_in_dim3A_13 = vector.broadcast %broadcast_in_dim3A_12 : f32 to vector<16xf32>
    %swap3A_14 = arith.constant 1 : i32
    %swap3A_15 = arith.index_cast %swap3A_14 : i32 to index
    %swap3A_16 = arith.constant 0 : index
    %swap3A_17 = tpu.vector_load %arg13[%swap3A_15, %swap3A_16] {strides = array<i32>} : memref<5x16xf32, #tpu.memory_space<vmem>>, vector<16xf32>,
    tpu.vector_store %arg13[%swap3A_15, %swap3A_16], %broadcast_in_dim3A_13 {strides = array<i32>} : memref<5x16xf32, #tpu.memory_space<vmem>>, vector<16xf32>,
    %broadcast_in_dim3A_18 = arith.constant 0.000000e+00 : f32
    %broadcast_in_dim3A_19 = vector.broadcast %broadcast_in_dim3A_18 : f32 to vector<16xf32>
    %swap3A_20 = arith.constant 2 : i32
    %swap3A_21 = arith.index_cast %swap3A_20 : i32 to index
    %swap3A_22 = arith.constant 0 : index
    %swap3A_23 = tpu.vector_load %arg13[%swap3A_21, %swap3A_22] {strides = array<i32>} : memref<5x16xf32, #tpu.memory_space<vmem>>, vector<16xf32>,
    tpu.vector_store %arg13[%swap3A_21, %swap3A_22], %broadcast_in_dim3A_19 {strides = array<i32>} : memref<5x16xf32, #tpu.memory_space<vmem>>, vector<16xf32>,
    %broadcast_in_dim3A_24 = arith.constant 0.000000e+00 : f32
    %broadcast_in_dim3A_25 = vector.broadcast %broadcast_in_dim3A_24 : f32 to vector<16xf32>
    %swap3A_26 = arith.constant 3 : i32
    %swap3A_27 = arith.index_cast %swap3A_26 : i32 to index
    %swap3A_28 = arith.constant 0 : index
    %swap3A_29 = tpu.vector_load %arg13[%swap3A_27, %swap3A_28] {strides = array<i32>} : memref<5x16xf32, #tpu.memory_space<vmem>>, vector<16xf32>,
    tpu.vector_store %arg13[%swap3A_27, %swap3A_28], %broadcast_in_dim3A_25 {strides = array<i32>} : memref<5x16xf32, #tpu.memory_space<vmem>>, vector<16xf32>,
    %broadcast_in_dim3A_30 = arith.constant 0.000000e+00 : f32
    %broadcast_in_dim3A_31 = vector.broadcast %broadcast_in_dim3A_30 : f32 to vector<16xf32>
    %swap3A_32 = arith.constant 4 : i32
    %swap3A_33 = arith.index_cast %swap3A_32 : i32 to index
    %swap3A_34 = arith.constant 0 : index
    %swap3A_35 = tpu.vector_load %arg13[%swap3A_33, %swap3A_34] {strides = array<i32>} : memref<5x16xf32, #tpu.memory_space<vmem>>, vector<16xf32>,
    tpu.vector_store %arg13[%swap3A_33, %swap3A_34], %broadcast_in_dim3A_31 {strides = array<i32>} : memref<5x16xf32, #tpu.memory_space<vmem>>, vector<16xf32>,
    %dma_wait3A = tpu.memref_slice %arg3[%add3A_4] : memref<640000xi32, #tpu.memory_space<hbm>> -> memref<20000xi32, #tpu.memory_space<hbm>>
    %dma_wait3A_36 = tpu.memref_slice %arg3[%add3A_4] : memref<640000xi32, #tpu.memory_space<hbm>> -> memref<20000xi32, #tpu.memory_space<hbm>>
    tpu.wait_dma2 semaphore(%arg16 : memref<!tpu.dma_semaphore, #tpu.memory_space<semaphore_mem>>) src(%dma_wait3A_36 : memref<20000xi32, #tpu.memory_space<hbm>>) dst(%arg7 : memref<20000xi32, #tpu.memory_space<vmem>>)
    %barrier3A = arith.constant 0 : index
    tpu.barrier barrier_id(%barrier3A)
    %scan3A = arith.constant 0 : i32
    %scan3A_37 = arith.constant 25 : i32
    %scan3A_38 = arith.addi %scan3A, %scan3A_37 : i32
    %scan3A_39 = arith.constant 1 : i32
    scf.for %scan3A_47 = %scan3A to %scan3A_38 step %scan3A_39  : i32 {
      %mul3A_48 = arith.constant 1 : i32
      %mul3A_49 = arith.muli %scan3A_47, %mul3A_48 : i32
      %add3A_50 = arith.constant 0 : i32
      %add3A_51 = arith.addi %add3A_50, %mul3A_49 : i32
      %mul3A_52 = arith.constant 800 : i32
      %mul3A_53 = arith.muli %add3A_51, %mul3A_52 : i32
      %add3A_54 = arith.constant 0 : i32
      %add3A_55 = arith.addi %mul3A_53, %add3A_54 : i32
      %get3A = arith.index_cast %add3A_55 : i32 to index
      %get3A_56 = tpu.vector_load %arg7[%get3A] {strides = array<i32>} : memref<20000xi32, #tpu.memory_space<vmem>>, vector<16xi32>,
      %add3A_57 = arith.constant 16 : i32
      %add3A_58 = arith.addi %mul3A_53, %add3A_57 : i32
      %get3A_59 = arith.index_cast %add3A_58 : i32 to index
      %get3A_60 = tpu.vector_load %arg7[%get3A_59] {strides = array<i32>} : memref<20000xi32, #tpu.memory_space<vmem>>, vector<16xi32>,
      %add3A_61 = arith.constant 32 : i32
      %add3A_62 = arith.addi %mul3A_53, %add3A_61 : i32
      %get3A_63 = arith.index_cast %add3A_62 : i32 to index
      %get3A_64 = tpu.vector_load %arg7[%get3A_63] {strides = array<i32>} : memref<20000xi32, #tpu.memory_space<vmem>>, vector<16xi32>,
      %add3A_65 = arith.constant 48 : i32
      %add3A_66 = arith.addi %mul3A_53, %add3A_65 : i32
      %get3A_67 = arith.index_cast %add3A_66 : i32 to index
      %get3A_68 = tpu.vector_load %arg7[%get3A_67] {strides = array<i32>} : memref<20000xi32, #tpu.memory_space<vmem>>, vector<16xi32>,
      %add3A_69 = arith.constant 64 : i32
      %add3A_70 = arith.addi %mul3A_53, %add3A_69 : i32
      %get3A_71 = arith.index_cast %add3A_70 : i32 to index
      %get3A_72 = tpu.vector_load %arg7[%get3A_71] {strides = array<i32>} : memref<20000xi32, #tpu.memory_space<vmem>>, vector<16xi32>,
      %add3A_73 = arith.constant 80 : i32
      %add3A_74 = arith.addi %mul3A_53, %add3A_73 : i32
      %get3A_75 = arith.index_cast %add3A_74 : i32 to index
      %get3A_76 = tpu.vector_load %arg7[%get3A_75] {strides = array<i32>} : memref<20000xi32, #tpu.memory_space<vmem>>, vector<16xi32>,
      %add3A_77 = arith.constant 96 : i32
      %add3A_78 = arith.addi %mul3A_53, %add3A_77 : i32
      %get3A_79 = arith.index_cast %add3A_78 : i32 to index
      %get3A_80 = tpu.vector_load %arg7[%get3A_79] {strides = array<i32>} : memref<20000xi32, #tpu.memory_space<vmem>>, vector<16xi32>,
      %add3A_81 = arith.constant 112 : i32
      %add3A_82 = arith.addi %mul3A_53, %add3A_81 : i32
      %get3A_83 = arith.index_cast %add3A_82 : i32 to index
      %get3A_84 = tpu.vector_load %arg7[%get3A_83] {strides = array<i32>} : memref<20000xi32, #tpu.memory_space<vmem>>, vector<16xi32>,
      %add3A_85 = arith.constant 128 : i32
      %add3A_86 = arith.addi %mul3A_53, %add3A_85 : i32
      %get3A_87 = arith.index_cast %add3A_86 : i32 to index
      %get3A_88 = tpu.vector_load %arg7[%get3A_87] {strides = array<i32>} : memref<20000xi32, #tpu.memory_space<vmem>>, vector<16xi32>,
      %add3A_89 = arith.constant 144 : i32
      %add3A_90 = arith.addi %mul3A_53, %add3A_89 : i32
      %get3A_91 = arith.index_cast %add3A_90 : i32 to index
      %get3A_92 = tpu.vector_load %arg7[%get3A_91] {strides = array<i32>} : memref<20000xi32, #tpu.memory_space<vmem>>, vector<16xi32>,
      %add3A_93 = arith.constant 160 : i32
      %add3A_94 = arith.addi %mul3A_53, %add3A_93 : i32
      %get3A_95 = arith.index_cast %add3A_94 : i32 to index
      %get3A_96 = tpu.vector_load %arg7[%get3A_95] {strides = array<i32>} : memref<20000xi32, #tpu.memory_space<vmem>>, vector<16xi32>,
      %add3A_97 = arith.constant 176 : i32
      %add3A_98 = arith.addi %mul3A_53, %add3A_97 : i32
      %get3A_99 = arith.index_cast %add3A_98 : i32 to index
      %get3A_100 = tpu.vector_load %arg7[%get3A_99] {strides = array<i32>} : memref<20000xi32, #tpu.memory_space<vmem>>, vector<16xi32>,
      %add3A_101 = arith.constant 192 : i32
      %add3A_102 = arith.addi %mul3A_53, %add3A_101 : i32
      %get3A_103 = arith.index_cast %add3A_102 : i32 to index
      %get3A_104 = tpu.vector_load %arg7[%get3A_103] {strides = array<i32>} : memref<20000xi32, #tpu.memory_space<vmem>>, vector<16xi32>,
      %add3A_105 = arith.constant 208 : i32
      %add3A_106 = arith.addi %mul3A_53, %add3A_105 : i32
      %get3A_107 = arith.index_cast %add3A_106 : i32 to index
      %get3A_108 = tpu.vector_load %arg7[%get3A_107] {strides = array<i32>} : memref<20000xi32, #tpu.memory_space<vmem>>, vector<16xi32>,
      %add3A_109 = arith.constant 224 : i32
      %add3A_110 = arith.addi %mul3A_53, %add3A_109 : i32
      %get3A_111 = arith.index_cast %add3A_110 : i32 to index
      %get3A_112 = tpu.vector_load %arg7[%get3A_111] {strides = array<i32>} : memref<20000xi32, #tpu.memory_space<vmem>>, vector<16xi32>,
      %add3A_113 = arith.constant 240 : i32
      %add3A_114 = arith.addi %mul3A_53, %add3A_113 : i32
      %get3A_115 = arith.index_cast %add3A_114 : i32 to index
      %get3A_116 = tpu.vector_load %arg7[%get3A_115] {strides = array<i32>} : memref<20000xi32, #tpu.memory_space<vmem>>, vector<16xi32>,
      %add3A_117 = arith.constant 256 : i32
      %add3A_118 = arith.addi %mul3A_53, %add3A_117 : i32
      %get3A_119 = arith.index_cast %add3A_118 : i32 to index
      %get3A_120 = tpu.vector_load %arg7[%get3A_119] {strides = array<i32>} : memref<20000xi32, #tpu.memory_space<vmem>>, vector<16xi32>,
      %add3A_121 = arith.constant 272 : i32
      %add3A_122 = arith.addi %mul3A_53, %add3A_121 : i32
      %get3A_123 = arith.index_cast %add3A_122 : i32 to index
      %get3A_124 = tpu.vector_load %arg7[%get3A_123] {strides = array<i32>} : memref<20000xi32, #tpu.memory_space<vmem>>, vector<16xi32>,
      %add3A_125 = arith.constant 288 : i32
      %add3A_126 = arith.addi %mul3A_53, %add3A_125 : i32
      %get3A_127 = arith.index_cast %add3A_126 : i32 to index
      %get3A_128 = tpu.vector_load %arg7[%get3A_127] {strides = array<i32>} : memref<20000xi32, #tpu.memory_space<vmem>>, vector<16xi32>,
      %add3A_129 = arith.constant 304 : i32
      %add3A_130 = arith.addi %mul3A_53, %add3A_129 : i32
      %get3A_131 = arith.index_cast %add3A_130 : i32 to index
      %get3A_132 = tpu.vector_load %arg7[%get3A_131] {strides = array<i32>} : memref<20000xi32, #tpu.memory_space<vmem>>, vector<16xi32>,
      %add3A_133 = arith.constant 320 : i32
      %add3A_134 = arith.addi %mul3A_53, %add3A_133 : i32
      %get3A_135 = arith.index_cast %add3A_134 : i32 to index
      %get3A_136 = tpu.vector_load %arg7[%get3A_135] {strides = array<i32>} : memref<20000xi32, #tpu.memory_space<vmem>>, vector<16xi32>,
      %add3A_137 = arith.constant 336 : i32
      %add3A_138 = arith.addi %mul3A_53, %add3A_137 : i32
      %get3A_139 = arith.index_cast %add3A_138 : i32 to index
      %get3A_140 = tpu.vector_load %arg7[%get3A_139] {strides = array<i32>} : memref<20000xi32, #tpu.memory_space<vmem>>, vector<16xi32>,
      %add3A_141 = arith.constant 352 : i32
      %add3A_142 = arith.addi %mul3A_53, %add3A_141 : i32
      %get3A_143 = arith.index_cast %add3A_142 : i32 to index
      %get3A_144 = tpu.vector_load %arg7[%get3A_143] {strides = array<i32>} : memref<20000xi32, #tpu.memory_space<vmem>>, vector<16xi32>,
      %add3A_145 = arith.constant 368 : i32
      %add3A_146 = arith.addi %mul3A_53, %add3A_145 : i32
      %get3A_147 = arith.index_cast %add3A_146 : i32 to index
      %get3A_148 = tpu.vector_load %arg7[%get3A_147] {strides = array<i32>} : memref<20000xi32, #tpu.memory_space<vmem>>, vector<16xi32>,
      %add3A_149 = arith.constant 384 : i32
      %add3A_150 = arith.addi %mul3A_53, %add3A_149 : i32
      %get3A_151 = arith.index_cast %add3A_150 : i32 to index
      %get3A_152 = tpu.vector_load %arg7[%get3A_151] {strides = array<i32>} : memref<20000xi32, #tpu.memory_space<vmem>>, vector<16xi32>,
      %add3A_153 = arith.constant 400 : i32
      %add3A_154 = arith.addi %mul3A_53, %add3A_153 : i32
      %get3A_155 = arith.index_cast %add3A_154 : i32 to index
      %get3A_156 = tpu.vector_load %arg7[%get3A_155] {strides = array<i32>} : memref<20000xi32, #tpu.memory_space<vmem>>, vector<16xi32>,
      %add3A_157 = arith.constant 416 : i32
      %add3A_158 = arith.addi %mul3A_53, %add3A_157 : i32
      %get3A_159 = arith.index_cast %add3A_158 : i32 to index
      %get3A_160 = tpu.vector_load %arg7[%get3A_159] {strides = array<i32>} : memref<20000xi32, #tpu.memory_space<vmem>>, vector<16xi32>,
      %add3A_161 = arith.constant 432 : i32
      %add3A_162 = arith.addi %mul3A_53, %add3A_161 : i32
      %get3A_163 = arith.index_cast %add3A_162 : i32 to index
      %get3A_164 = tpu.vector_load %arg7[%get3A_163] {strides = array<i32>} : memref<20000xi32, #tpu.memory_space<vmem>>, vector<16xi32>,
      %add3A_165 = arith.constant 448 : i32
      %add3A_166 = arith.addi %mul3A_53, %add3A_165 : i32
      %get3A_167 = arith.index_cast %add3A_166 : i32 to index
      %get3A_168 = tpu.vector_load %arg7[%get3A_167] {strides = array<i32>} : memref<20000xi32, #tpu.memory_space<vmem>>, vector<16xi32>,
      %add3A_169 = arith.constant 464 : i32
      %add3A_170 = arith.addi %mul3A_53, %add3A_169 : i32
      %get3A_171 = arith.index_cast %add3A_170 : i32 to index
      %get3A_172 = tpu.vector_load %arg7[%get3A_171] {strides = array<i32>} : memref<20000xi32, #tpu.memory_space<vmem>>, vector<16xi32>,
      %add3A_173 = arith.constant 480 : i32
      %add3A_174 = arith.addi %mul3A_53, %add3A_173 : i32
      %get3A_175 = arith.index_cast %add3A_174 : i32 to index
      %get3A_176 = tpu.vector_load %arg7[%get3A_175] {strides = array<i32>} : memref<20000xi32, #tpu.memory_space<vmem>>, vector<16xi32>,
      %add3A_177 = arith.constant 496 : i32
      %add3A_178 = arith.addi %mul3A_53, %add3A_177 : i32
      %get3A_179 = arith.index_cast %add3A_178 : i32 to index
      %get3A_180 = tpu.vector_load %arg7[%get3A_179] {strides = array<i32>} : memref<20000xi32, #tpu.memory_space<vmem>>, vector<16xi32>,
      %add3A_181 = arith.constant 512 : i32
      %add3A_182 = arith.addi %mul3A_53, %add3A_181 : i32
      %get3A_183 = arith.index_cast %add3A_182 : i32 to index
      %get3A_184 = tpu.vector_load %arg7[%get3A_183] {strides = array<i32>} : memref<20000xi32, #tpu.memory_space<vmem>>, vector<16xi32>,
      %add3A_185 = arith.constant 528 : i32
      %add3A_186 = arith.addi %mul3A_53, %add3A_185 : i32
      %get3A_187 = arith.index_cast %add3A_186 : i32 to index
      %get3A_188 = tpu.vector_load %arg7[%get3A_187] {strides = array<i32>} : memref<20000xi32, #tpu.memory_space<vmem>>, vector<16xi32>,
      %add3A_189 = arith.constant 544 : i32
      %add3A_190 = arith.addi %mul3A_53, %add3A_189 : i32
      %get3A_191 = arith.index_cast %add3A_190 : i32 to index
      %get3A_192 = tpu.vector_load %arg7[%get3A_191] {strides = array<i32>} : memref<20000xi32, #tpu.memory_space<vmem>>, vector<16xi32>,
      %add3A_193 = arith.constant 560 : i32
      %add3A_194 = arith.addi %mul3A_53, %add3A_193 : i32
      %get3A_195 = arith.index_cast %add3A_194 : i32 to index
      %get3A_196 = tpu.vector_load %arg7[%get3A_195] {strides = array<i32>} : memref<20000xi32, #tpu.memory_space<vmem>>, vector<16xi32>,
      %add3A_197 = arith.constant 576 : i32
      %add3A_198 = arith.addi %mul3A_53, %add3A_197 : i32
      %get3A_199 = arith.index_cast %add3A_198 : i32 to index
      %get3A_200 = tpu.vector_load %arg7[%get3A_199] {strides = array<i32>} : memref<20000xi32, #tpu.memory_space<vmem>>, vector<16xi32>,
      %add3A_201 = arith.constant 592 : i32
      %add3A_202 = arith.addi %mul3A_53, %add3A_201 : i32
      %get3A_203 = arith.index_cast %add3A_202 : i32 to index
      %get3A_204 = tpu.vector_load %arg7[%get3A_203] {strides = array<i32>} : memref<20000xi32, #tpu.memory_space<vmem>>, vector<16xi32>,
      %add3A_205 = arith.constant 608 : i32
      %add3A_206 = arith.addi %mul3A_53, %add3A_205 : i32
      %get3A_207 = arith.index_cast %add3A_206 : i32 to index
      %get3A_208 = tpu.vector_load %arg7[%get3A_207] {strides = array<i32>} : memref<20000xi32, #tpu.memory_space<vmem>>, vector<16xi32>,
      %add3A_209 = arith.constant 624 : i32
      %add3A_210 = arith.addi %mul3A_53, %add3A_209 : i32
      %get3A_211 = arith.index_cast %add3A_210 : i32 to index
      %get3A_212 = tpu.vector_load %arg7[%get3A_211] {strides = array<i32>} : memref<20000xi32, #tpu.memory_space<vmem>>, vector<16xi32>,
      %add3A_213 = arith.constant 640 : i32
      %add3A_214 = arith.addi %mul3A_53, %add3A_213 : i32
      %get3A_215 = arith.index_cast %add3A_214 : i32 to index
      %get3A_216 = tpu.vector_load %arg7[%get3A_215] {strides = array<i32>} : memref<20000xi32, #tpu.memory_space<vmem>>, vector<16xi32>,
      %add3A_217 = arith.constant 656 : i32
      %add3A_218 = arith.addi %mul3A_53, %add3A_217 : i32
      %get3A_219 = arith.index_cast %add3A_218 : i32 to index
      %get3A_220 = tpu.vector_load %arg7[%get3A_219] {strides = array<i32>} : memref<20000xi32, #tpu.memory_space<vmem>>, vector<16xi32>,
      %add3A_221 = arith.constant 672 : i32
      %add3A_222 = arith.addi %mul3A_53, %add3A_221 : i32
      %get3A_223 = arith.index_cast %add3A_222 : i32 to index
      %get3A_224 = tpu.vector_load %arg7[%get3A_223] {strides = array<i32>} : memref<20000xi32, #tpu.memory_space<vmem>>, vector<16xi32>,
      %add3A_225 = arith.constant 688 : i32
      %add3A_226 = arith.addi %mul3A_53, %add3A_225 : i32
      %get3A_227 = arith.index_cast %add3A_226 : i32 to index
      %get3A_228 = tpu.vector_load %arg7[%get3A_227] {strides = array<i32>} : memref<20000xi32, #tpu.memory_space<vmem>>, vector<16xi32>,
      %add3A_229 = arith.constant 704 : i32
      %add3A_230 = arith.addi %mul3A_53, %add3A_229 : i32
      %get3A_231 = arith.index_cast %add3A_230 : i32 to index
      %get3A_232 = tpu.vector_load %arg7[%get3A_231] {strides = array<i32>} : memref<20000xi32, #tpu.memory_space<vmem>>, vector<16xi32>,
      %add3A_233 = arith.constant 720 : i32
      %add3A_234 = arith.addi %mul3A_53, %add3A_233 : i32
      %get3A_235 = arith.index_cast %add3A_234 : i32 to index
      %get3A_236 = tpu.vector_load %arg7[%get3A_235] {strides = array<i32>} : memref<20000xi32, #tpu.memory_space<vmem>>, vector<16xi32>,
      %add3A_237 = arith.constant 736 : i32
      %add3A_238 = arith.addi %mul3A_53, %add3A_237 : i32
      %get3A_239 = arith.index_cast %add3A_238 : i32 to index
      %get3A_240 = tpu.vector_load %arg7[%get3A_239] {strides = array<i32>} : memref<20000xi32, #tpu.memory_space<vmem>>, vector<16xi32>,
      %add3A_241 = arith.constant 752 : i32
      %add3A_242 = arith.addi %mul3A_53, %add3A_241 : i32
      %get3A_243 = arith.index_cast %add3A_242 : i32 to index
      %get3A_244 = tpu.vector_load %arg7[%get3A_243] {strides = array<i32>} : memref<20000xi32, #tpu.memory_space<vmem>>, vector<16xi32>,
      %add3A_245 = arith.constant 768 : i32
      %add3A_246 = arith.addi %mul3A_53, %add3A_245 : i32
      %get3A_247 = arith.index_cast %add3A_246 : i32 to index
      %get3A_248 = tpu.vector_load %arg7[%get3A_247] {strides = array<i32>} : memref<20000xi32, #tpu.memory_space<vmem>>, vector<16xi32>,
      %add3A_249 = arith.constant 784 : i32
      %add3A_250 = arith.addi %mul3A_53, %add3A_249 : i32
      %get3A_251 = arith.index_cast %add3A_250 : i32 to index
      %get3A_252 = tpu.vector_load %arg7[%get3A_251] {strides = array<i32>} : memref<20000xi32, #tpu.memory_space<vmem>>, vector<16xi32>,
      %min3A = arith.minsi %get3A_56, %get3A_60 : vector<16xi32>
      %min3A_253 = arith.minsi %get3A_64, %get3A_68 : vector<16xi32>
      %min3A_254 = arith.minsi %get3A_72, %get3A_76 : vector<16xi32>
      %min3A_255 = arith.minsi %get3A_80, %get3A_84 : vector<16xi32>
      %min3A_256 = arith.minsi %get3A_88, %get3A_92 : vector<16xi32>
      %min3A_257 = arith.minsi %get3A_96, %get3A_100 : vector<16xi32>
      %min3A_258 = arith.minsi %get3A_104, %get3A_108 : vector<16xi32>
      %min3A_259 = arith.minsi %get3A_112, %get3A_116 : vector<16xi32>
      %min3A_260 = arith.minsi %get3A_120, %get3A_124 : vector<16xi32>
      %min3A_261 = arith.minsi %get3A_128, %get3A_132 : vector<16xi32>
      %min3A_262 = arith.minsi %get3A_136, %get3A_140 : vector<16xi32>
      %min3A_263 = arith.minsi %get3A_144, %get3A_148 : vector<16xi32>
      %min3A_264 = arith.minsi %get3A_152, %get3A_156 : vector<16xi32>
      %min3A_265 = arith.minsi %get3A_160, %get3A_164 : vector<16xi32>
      %min3A_266 = arith.minsi %get3A_168, %get3A_172 : vector<16xi32>
      %min3A_267 = arith.minsi %get3A_176, %get3A_180 : vector<16xi32>
      %min3A_268 = arith.minsi %get3A_184, %get3A_188 : vector<16xi32>
      %min3A_269 = arith.minsi %get3A_192, %get3A_196 : vector<16xi32>
      %min3A_270 = arith.minsi %get3A_200, %get3A_204 : vector<16xi32>
      %min3A_271 = arith.minsi %get3A_208, %get3A_212 : vector<16xi32>
      %min3A_272 = arith.minsi %get3A_216, %get3A_220 : vector<16xi32>
      %min3A_273 = arith.minsi %get3A_224, %get3A_228 : vector<16xi32>
      %min3A_274 = arith.minsi %get3A_232, %get3A_236 : vector<16xi32>
      %min3A_275 = arith.minsi %get3A_240, %get3A_244 : vector<16xi32>
      %min3A_276 = arith.minsi %get3A_248, %get3A_252 : vector<16xi32>
      %min3A_277 = arith.minsi %min3A, %min3A_253 : vector<16xi32>
      %min3A_278 = arith.minsi %min3A_254, %min3A_255 : vector<16xi32>
      %min3A_279 = arith.minsi %min3A_256, %min3A_257 : vector<16xi32>
      %min3A_280 = arith.minsi %min3A_258, %min3A_259 : vector<16xi32>
      %min3A_281 = arith.minsi %min3A_260, %min3A_261 : vector<16xi32>
      %min3A_282 = arith.minsi %min3A_262, %min3A_263 : vector<16xi32>
      %min3A_283 = arith.minsi %min3A_264, %min3A_265 : vector<16xi32>
      %min3A_284 = arith.minsi %min3A_266, %min3A_267 : vector<16xi32>
      %min3A_285 = arith.minsi %min3A_268, %min3A_269 : vector<16xi32>
      %min3A_286 = arith.minsi %min3A_270, %min3A_271 : vector<16xi32>
      %min3A_287 = arith.minsi %min3A_272, %min3A_273 : vector<16xi32>
      %min3A_288 = arith.minsi %min3A_274, %min3A_275 : vector<16xi32>
      %min3A_289 = arith.minsi %min3A_277, %min3A_278 : vector<16xi32>
      %min3A_290 = arith.minsi %min3A_279, %min3A_280 : vector<16xi32>
      %min3A_291 = arith.minsi %min3A_281, %min3A_282 : vector<16xi32>
      %min3A_292 = arith.minsi %min3A_283, %min3A_284 : vector<16xi32>
      %min3A_293 = arith.minsi %min3A_285, %min3A_286 : vector<16xi32>
      %min3A_294 = arith.minsi %min3A_287, %min3A_288 : vector<16xi32>
      %min3A_295 = arith.minsi %min3A_289, %min3A_290 : vector<16xi32>
      %min3A_296 = arith.minsi %min3A_291, %min3A_292 : vector<16xi32>
      %min3A_297 = arith.minsi %min3A_293, %min3A_294 : vector<16xi32>
      %min3A_298 = arith.minsi %min3A_295, %min3A_296 : vector<16xi32>
      %min3A_299 = arith.minsi %min3A_297, %min3A_276 : vector<16xi32>
      %min3A_300 = arith.minsi %min3A_298, %min3A_299 : vector<16xi32>
      %eq3A_301 = arith.constant 0 : i32
      %eq3A_302 = vector.broadcast %eq3A_301 : i32 to vector<16xi32>
      %eq3A_303 = arith.cmpi eq, %min3A_300, %eq3A_302 : vector<16xi32>
      %reduce_or3A = arith.constant 1.000000e+00 : f32
      %reduce_or3A_304 = arith.constant 0.000000e+00 : f32
      %reduce_or3A_305 = vector.broadcast %reduce_or3A : f32 to vector<16xf32>
      %reduce_or3A_306 = vector.broadcast %reduce_or3A_304 : f32 to vector<16xf32>
      %reduce_or3A_307 = arith.select %eq3A_303, %reduce_or3A_305, %reduce_or3A_306 : vector<16xi1>, vector<16xf32>
      %reduce_or3A_308 = arith.constant true
      %reduce_or3A_309 = vector.broadcast %reduce_or3A_308 : i1 to vector<16xi1>
      %reduce_or3A_310 = tpu.scan <max>, %reduce_or3A_307 masked %reduce_or3A_309 : vector<16xf32>, vector<16xi1> -> vector<16xf32>
      %reduce_or3A_311 = vector.extract %reduce_or3A_310[15] : f32 from vector<16xf32>
      %reduce_or3A_312 = arith.constant 0.000000e+00 : f32
      %reduce_or3A_313 = arith.cmpf ogt, %reduce_or3A_311, %reduce_or3A_312 : f32
      %convert_element_type3A_314 = arith.extui %reduce_or3A_313 : i1 to i32
      %cond3A_315 = arith.constant 0 : i32
      %cond3A_316 = arith.cmpi ne, %convert_element_type3A_314, %cond3A_315 : i32
      scf.if %cond3A_316 {
        %add3A_317 = arith.addi %mul3A_2, %mul3A_53 : i32
        "tpu.region"() ({
          %run_scoped3A = tpu.sem_alloc : memref<!tpu.dma_semaphore, #tpu.memory_space<semaphore_mem>>
          %dma_start3A_324 = tpu.memref_slice %arg3[%add3A_317] : memref<640000xi32, #tpu.memory_space<hbm>> -> memref<800xi32, #tpu.memory_space<hbm>>
          %dma_start3A_325 = tpu.memref_slice %arg3[%add3A_317] : memref<640000xi32, #tpu.memory_space<hbm>> -> memref<800xi32, #tpu.memory_space<hbm>>
          tpu.enqueue_dma source(%dma_start3A_325 : memref<800xi32, #tpu.memory_space<hbm>>) target(%arg8 : memref<800xi32, #tpu.memory_space<vmem>>) target_semaphore(%run_scoped3A : memref<!tpu.dma_semaphore, #tpu.memory_space<semaphore_mem>>)
          %dma_wait3A_326 = tpu.memref_slice %arg3[%add3A_317] : memref<640000xi32, #tpu.memory_space<hbm>> -> memref<800xi32, #tpu.memory_space<hbm>>
          %dma_wait3A_327 = tpu.memref_slice %arg3[%add3A_317] : memref<640000xi32, #tpu.memory_space<hbm>> -> memref<800xi32, #tpu.memory_space<hbm>>
          tpu.wait_dma2 semaphore(%run_scoped3A : memref<!tpu.dma_semaphore, #tpu.memory_space<semaphore_mem>>) src(%dma_wait3A_327 : memref<800xi32, #tpu.memory_space<hbm>>) dst(%arg8 : memref<800xi32, #tpu.memory_space<vmem>>)
          tpu.yield
        }) : () -> ()
        %add3A_318 = arith.addi %mul3A_2, %mul3A_53 : i32
        "tpu.region"() ({
          %run_scoped3A = tpu.sem_alloc : memref<!tpu.dma_semaphore, #tpu.memory_space<semaphore_mem>>
          %dma_start3A_324 = tpu.memref_slice %arg4[%add3A_318] : memref<320000xi32, #tpu.memory_space<hbm>> -> memref<800xi32, #tpu.memory_space<hbm>>
          %dma_start3A_325 = tpu.memref_slice %arg4[%add3A_318] : memref<320000xi32, #tpu.memory_space<hbm>> -> memref<800xi32, #tpu.memory_space<hbm>>
          tpu.enqueue_dma source(%dma_start3A_325 : memref<800xi32, #tpu.memory_space<hbm>>) target(%arg9 : memref<800xi32, #tpu.memory_space<vmem>>) target_semaphore(%run_scoped3A : memref<!tpu.dma_semaphore, #tpu.memory_space<semaphore_mem>>)
          %dma_wait3A_326 = tpu.memref_slice %arg4[%add3A_318] : memref<320000xi32, #tpu.memory_space<hbm>> -> memref<800xi32, #tpu.memory_space<hbm>>
          %dma_wait3A_327 = tpu.memref_slice %arg4[%add3A_318] : memref<320000xi32, #tpu.memory_space<hbm>> -> memref<800xi32, #tpu.memory_space<hbm>>
          tpu.wait_dma2 semaphore(%run_scoped3A : memref<!tpu.dma_semaphore, #tpu.memory_space<semaphore_mem>>) src(%dma_wait3A_327 : memref<800xi32, #tpu.memory_space<hbm>>) dst(%arg9 : memref<800xi32, #tpu.memory_space<vmem>>)
          tpu.yield
        }) : () -> ()
        %scan3A_319 = arith.constant 0 : i32
        %scan3A_320 = arith.constant 50 : i32
        %scan3A_321 = arith.addi %scan3A_319, %scan3A_320 : i32
        %scan3A_322 = arith.constant 1 : i32
        scf.for %scan3A_324 = %scan3A_319 to %scan3A_321 step %scan3A_322  : i32 {
          %mul3A_325 = arith.constant 1 : i32
          %mul3A_326 = arith.muli %scan3A_324, %mul3A_325 : i32
          %add3A_327 = arith.constant 0 : i32
          %add3A_328 = arith.addi %add3A_327, %mul3A_326 : i32
          %mul3A_329 = arith.constant 16 : i32
          %mul3A_330 = arith.muli %add3A_328, %mul3A_329 : i32
          %add3A_331 = arith.addi %mul3A_53, %mul3A_330 : i32
          %get3A_332 = arith.index_cast %add3A_331 : i32 to index
          %get3A_333 = tpu.vector_load %arg7[%get3A_332] {strides = array<i32>} : memref<20000xi32, #tpu.memory_space<vmem>>, vector<16xi32>,
          %eq3A_334 = arith.constant 0 : i32
          %eq3A_335 = vector.broadcast %eq3A_334 : i32 to vector<16xi32>
          %eq3A_336 = arith.cmpi eq, %get3A_333, %eq3A_335 : vector<16xi32>
          %reduce_or3A_337 = arith.constant 1.000000e+00 : f32
          %reduce_or3A_338 = arith.constant 0.000000e+00 : f32
          %reduce_or3A_339 = vector.broadcast %reduce_or3A_337 : f32 to vector<16xf32>
          %reduce_or3A_340 = vector.broadcast %reduce_or3A_338 : f32 to vector<16xf32>
          %reduce_or3A_341 = arith.select %eq3A_336, %reduce_or3A_339, %reduce_or3A_340 : vector<16xi1>, vector<16xf32>
          %reduce_or3A_342 = arith.constant true
          %reduce_or3A_343 = vector.broadcast %reduce_or3A_342 : i1 to vector<16xi1>
          %reduce_or3A_344 = tpu.scan <max>, %reduce_or3A_341 masked %reduce_or3A_343 : vector<16xf32>, vector<16xi1> -> vector<16xf32>
          %reduce_or3A_345 = vector.extract %reduce_or3A_344[15] : f32 from vector<16xf32>
          %reduce_or3A_346 = arith.constant 0.000000e+00 : f32
          %reduce_or3A_347 = arith.cmpf ogt, %reduce_or3A_345, %reduce_or3A_346 : f32
          %convert_element_type3A_348 = arith.extui %reduce_or3A_347 : i1 to i32
          %cond3A_349 = arith.constant 0 : i32
          %cond3A_350 = arith.cmpi ne, %convert_element_type3A_348, %cond3A_349 : i32
          scf.if %cond3A_350 {
            %get3A_351 = arith.index_cast %mul3A_330 : i32 to index
            %get3A_352 = tpu.vector_load %arg9[%get3A_351] {strides = array<i32>} : memref<800xi32, #tpu.memory_space<vmem>>, vector<16xi32>,
            %iota3A = tpu.iota {dimensions = array<i32: 0>} : vector<16xi32>
            %broadcast_in_dim3A_353 = arith.constant 1.000000e+00 : f32
            %broadcast_in_dim3A_354 = vector.broadcast %broadcast_in_dim3A_353 : f32 to vector<16xf32>
            %scatter3A = arith.constant 0 : i32
            %scatter3A_355 = arith.constant 0 : i32
            %scatter3A_356 = tpu.memref_slice %arg13[%scatter3A, %scatter3A_355] : memref<5x16xf32, #tpu.memory_space<vmem>> -> memref<5x16xf32, #tpu.memory_space<vmem>>
            tpu.vector_store_idx %scatter3A_356[%get3A_352, %iota3A], %broadcast_in_dim3A_354 masked %eq3A_336 {add = true} : memref<5x16xf32, #tpu.memory_space<vmem>>[vector<16xi32>, vector<16xi32>], vector<16xf32>, vector<16xi1>
            %broadcast_in_dim3A_357 = arith.constant 0 : i32
            %broadcast_in_dim3A_358 = vector.broadcast %broadcast_in_dim3A_357 : i32 to vector<16xi32>
            %swap3A_359 = arith.constant 0 : index
            %swap3A_360 = tpu.vector_load %arg10[%swap3A_359] {strides = array<i32>} : memref<16xi32, #tpu.memory_space<vmem>>, vector<16xi32>,
            tpu.vector_store %arg10[%swap3A_359], %broadcast_in_dim3A_358 {strides = array<i32>} : memref<16xi32, #tpu.memory_space<vmem>>, vector<16xi32>,
            %broadcast_in_dim3A_361 = arith.constant 5 : i32
            %broadcast_in_dim3A_362 = vector.broadcast %broadcast_in_dim3A_361 : i32 to vector<16xi32>
            %swap3A_363 = arith.constant 0 : index
            %swap3A_364 = tpu.vector_load %arg11[%swap3A_363] {strides = array<i32>} : memref<16xi32, #tpu.memory_space<vmem>>, vector<16xi32>,
            tpu.vector_store %arg11[%swap3A_363], %broadcast_in_dim3A_362 {strides = array<i32>} : memref<16xi32, #tpu.memory_space<vmem>>, vector<16xi32>,
            %get3A_365 = arith.index_cast %mul3A_330 : i32 to index
            %get3A_366 = tpu.vector_load %arg8[%get3A_365] {strides = array<i32>} : memref<800xi32, #tpu.memory_space<vmem>>, vector<16xi32>,
            %swap3A_367 = arith.constant 0 : index
            %swap3A_368 = tpu.vector_load %arg10[%swap3A_367] masked %eq3A_336 {strides = array<i32>} : memref<16xi32, #tpu.memory_space<vmem>>, vector<16xi32>, vector<16xi1>
            tpu.vector_store %arg10[%swap3A_367], %get3A_366 masked %eq3A_336 {strides = array<i32>} : memref<16xi32, #tpu.memory_space<vmem>>, vector<16xi32>, vector<16xi1>
            %get3A_369 = arith.index_cast %mul3A_330 : i32 to index
            %get3A_370 = tpu.vector_load %arg9[%get3A_369] {strides = array<i32>} : memref<800xi32, #tpu.memory_space<vmem>>, vector<16xi32>,
            %swap3A_371 = arith.constant 0 : index
            %swap3A_372 = tpu.vector_load %arg11[%swap3A_371] masked %eq3A_336 {strides = array<i32>} : memref<16xi32, #tpu.memory_space<vmem>>, vector<16xi32>, vector<16xi1>
            tpu.vector_store %arg11[%swap3A_371], %get3A_370 masked %eq3A_336 {strides = array<i32>} : memref<16xi32, #tpu.memory_space<vmem>>, vector<16xi32>, vector<16xi1>
            %dma_start3A_373 = arith.constant 0 : i32
            %dma_start3A_374 = arith.constant 0 : i32
            %dma_start3A_375 = tpu.memref_slice %arg2[%dma_start3A_373, %dma_start3A_374] : memref<10000x128xf32, #tpu.memory_space<hbm>> -> memref<10000x128xf32, #tpu.memory_space<hbm>>
            tpu.enqueue_indirect_dma source(%dma_start3A_375 : memref<10000x128xf32, #tpu.memory_space<hbm>>) target(%arg12 : memref<16x128xf32, #tpu.memory_space<vmem>>) offsets(%arg10 : memref<16xi32, #tpu.memory_space<vmem>>) semaphore(%arg16 : memref<!tpu.dma_semaphore, #tpu.memory_space<semaphore_mem>>)
            %dma_wait3A_376 = arith.constant 0 : i32
            %dma_wait3A_377 = arith.constant 0 : i32
            %dma_wait3A_378 = tpu.memref_slice %arg2[%dma_wait3A_376, %dma_wait3A_377] : memref<10000x128xf32, #tpu.memory_space<hbm>> -> memref<10000x128xf32, #tpu.memory_space<hbm>>
            tpu.wait_indirect_dma semaphore(%arg16 : memref<!tpu.dma_semaphore, #tpu.memory_space<semaphore_mem>>) src(%dma_wait3A_378 : memref<10000x128xf32, #tpu.memory_space<hbm>>) dst(%arg12 : memref<16x128xf32, #tpu.memory_space<vmem>>)
            "tpu.region"() ({
              %run_scoped3A = tpu.sem_alloc : memref<!tpu.dma_semaphore, #tpu.memory_space<semaphore_mem>>
              %dma_start3A_379 = arith.constant 0 : i32
              %dma_start3A_380 = arith.constant 0 : i32
              %dma_start3A_381 = tpu.memref_slice %arg15[%dma_start3A_379, %dma_start3A_380] : memref<6x128xf32, #tpu.memory_space<vmem_shared>> -> memref<6x128xf32, #tpu.memory_space<vmem_shared>>
              tpu.enqueue_indirect_dma source(%arg12 : memref<16x128xf32, #tpu.memory_space<vmem>>) target(%dma_start3A_381 : memref<6x128xf32, #tpu.memory_space<vmem_shared>>) offsets(%arg11 : memref<16xi32, #tpu.memory_space<vmem>>) semaphore(%run_scoped3A : memref<!tpu.dma_semaphore, #tpu.memory_space<semaphore_mem>>) {add = true}
              %dma_wait3A_382 = arith.constant 0 : i32
              %dma_wait3A_383 = arith.constant 0 : i32
              %dma_wait3A_384 = tpu.memref_slice %arg15[%dma_wait3A_382, %dma_wait3A_383] : memref<6x128xf32, #tpu.memory_space<vmem_shared>> -> memref<6x128xf32, #tpu.memory_space<vmem_shared>>
              tpu.wait_indirect_dma semaphore(%run_scoped3A : memref<!tpu.dma_semaphore, #tpu.memory_space<semaphore_mem>>) src(%arg12 : memref<16x128xf32, #tpu.memory_space<vmem>>) dst(%dma_wait3A_384 : memref<6x128xf32, #tpu.memory_space<vmem_shared>>)
              tpu.yield
            }) : () -> ()
          } else {
          }
        }
        %scan3A_323 = arith.constant 50 : i32
      } else {
      }
    }
    %scan3A_40 = arith.constant 25 : i32
    %barrier3A_41 = arith.constant 0 : index
    tpu.barrier barrier_id(%barrier3A_41)
    "tpu.region"() ({
      %run_scoped3A = tpu.sem_alloc : memref<!tpu.dma_semaphore, #tpu.memory_space<semaphore_mem>>
      %dma_start3A_47 = arith.constant 0 : i32
      %dma_start3A_48 = arith.constant 0 : i32
      %dma_start3A_49 = tpu.memref_slice %arg6[%add3A, %dma_start3A_47, %dma_start3A_48] : memref<16x5x16xf32, #tpu.memory_space<hbm>> -> memref<1x5x16xf32, #tpu.memory_space<hbm>>
      %dma_start3A_50 = tpu.memref_squeeze %dma_start3A_49 : memref<1x5x16xf32, #tpu.memory_space<hbm>> -> memref<5x16xf32, #tpu.memory_space<hbm>>
      %dma_start3A_51 = arith.constant 0 : i32
      %dma_start3A_52 = arith.constant 0 : i32
      %dma_start3A_53 = tpu.memref_slice %arg6[%add3A, %dma_start3A_51, %dma_start3A_52] : memref<16x5x16xf32, #tpu.memory_space<hbm>> -> memref<1x5x16xf32, #tpu.memory_space<hbm>>
      %dma_start3A_54 = tpu.memref_squeeze %dma_start3A_53 : memref<1x5x16xf32, #tpu.memory_space<hbm>> -> memref<5x16xf32, #tpu.memory_space<hbm>>
      tpu.enqueue_dma source(%arg13 : memref<5x16xf32, #tpu.memory_space<vmem>>) target(%dma_start3A_54 : memref<5x16xf32, #tpu.memory_space<hbm>>) target_semaphore(%run_scoped3A : memref<!tpu.dma_semaphore, #tpu.memory_space<semaphore_mem>>)
      %dma_wait3A_55 = arith.constant 0 : i32
      %dma_wait3A_56 = arith.constant 0 : i32
      %dma_wait3A_57 = tpu.memref_slice %arg6[%add3A, %dma_wait3A_55, %dma_wait3A_56] : memref<16x5x16xf32, #tpu.memory_space<hbm>> -> memref<1x5x16xf32, #tpu.memory_space<hbm>>
      %dma_wait3A_58 = tpu.memref_squeeze %dma_wait3A_57 : memref<1x5x16xf32, #tpu.memory_space<hbm>> -> memref<5x16xf32, #tpu.memory_space<hbm>>
      %dma_wait3A_59 = arith.constant 0 : i32
      %dma_wait3A_60 = arith.constant 0 : i32
      %dma_wait3A_61 = tpu.memref_slice %arg6[%add3A, %dma_wait3A_59, %dma_wait3A_60] : memref<16x5x16xf32, #tpu.memory_space<hbm>> -> memref<1x5x16xf32, #tpu.memory_space<hbm>>
      %dma_wait3A_62 = tpu.memref_squeeze %dma_wait3A_61 : memref<1x5x16xf32, #tpu.memory_space<hbm>> -> memref<5x16xf32, #tpu.memory_space<hbm>>
      tpu.wait_dma2 semaphore(%run_scoped3A : memref<!tpu.dma_semaphore, #tpu.memory_space<semaphore_mem>>) src(%arg13 : memref<5x16xf32, #tpu.memory_space<vmem>>) dst(%dma_wait3A_62 : memref<5x16xf32, #tpu.memory_space<hbm>>)
      tpu.yield
    }) : () -> ()
    %eq3A_42 = arith.constant 0 : i32
    %eq3A_43 = arith.cmpi eq, %arg1, %eq3A_42 : i32
    %convert_element_type3A_44 = arith.extui %eq3A_43 : i1 to i32
    %cond3A_45 = arith.constant 0 : i32
    %cond3A_46 = arith.cmpi ne, %convert_element_type3A_44, %cond3A_45 : i32
    scf.if %cond3A_46 {
      "tpu.region"() ({
        %run_scoped3A = tpu.sem_alloc : memref<!tpu.dma_semaphore, #tpu.memory_space<semaphore_mem>>
        %dma_start3A_47 = arith.constant 0 : i32
        %dma_start3A_48 = arith.constant 0 : i32
        %dma_start3A_49 = tpu.memref_slice %arg5[%arg0, %dma_start3A_47, %dma_start3A_48] : memref<1x6x128xf32, #tpu.memory_space<hbm>> -> memref<1x6x128xf32, #tpu.memory_space<hbm>>
        %dma_start3A_50 = tpu.memref_squeeze %dma_start3A_49 : memref<1x6x128xf32, #tpu.memory_space<hbm>> -> memref<6x128xf32, #tpu.memory_space<hbm>>
        tpu.enqueue_dma source(%arg15 : memref<6x128xf32, #tpu.memory_space<vmem_shared>>) target(%dma_start3A_50 : memref<6x128xf32, #tpu.memory_space<hbm>>) target_semaphore(%run_scoped3A : memref<!tpu.dma_semaphore, #tpu.memory_space<semaphore_mem>>)
        %dma_wait3A_51 = arith.constant 0 : i32
        %dma_wait3A_52 = arith.constant 0 : i32
        %dma_wait3A_53 = tpu.memref_slice %arg5[%arg0, %dma_wait3A_51, %dma_wait3A_52] : memref<1x6x128xf32, #tpu.memory_space<hbm>> -> memref<1x6x128xf32, #tpu.memory_space<hbm>>
        %dma_wait3A_54 = tpu.memref_squeeze %dma_wait3A_53 : memref<1x6x128xf32, #tpu.memory_space<hbm>> -> memref<6x128xf32, #tpu.memory_space<hbm>>
        tpu.wait_dma2 semaphore(%run_scoped3A : memref<!tpu.dma_semaphore, #tpu.memory_space<semaphore_mem>>) src(%arg15 : memref<6x128xf32, #tpu.memory_space<vmem_shared>>) dst(%dma_wait3A_54 : memref<6x128xf32, #tpu.memory_space<hbm>>)
        tpu.yield
      }) : () -> ()
    } else {
    }
    return
  }
}

module attributes {stable_mosaic.version = 14 : i64} {
  func.func @_tc_head(%arg0: memref<1x6x128xf32, #tpu.memory_space<vmem>>, %arg1: memref<16x5x16xf32, #tpu.memory_space<vmem>>, %arg2: memref<1x128xf32, #tpu.memory_space<vmem>>, %arg3: memref<5x5xf32, #tpu.memory_space<vmem>>, %arg4: memref<640x128xf32, #tpu.memory_space<vmem>>, %arg5: memref<128x128xf32, #tpu.memory_space<vmem>>, %arg6: memref<1x128xf32, #tpu.memory_space<vmem>>, %arg7: memref<5000x128xf32, #tpu.memory_space<vmem>>, %arg8: memref<1x5000xf32, #tpu.memory_space<vmem>>, %arg9: memref<4000x128xf32, #tpu.memory_space<vmem>>, %arg10: memref<1x4000xf32, #tpu.memory_space<vmem>>, %arg11: memref<1x5000xf32, #tpu.memory_space<vmem>>, %arg12: memref<1x4000xf32, #tpu.memory_space<vmem>>) attributes {dimension_semantics = [], scalar_prefetch = 0 : i64, scratch_operands = 0 : i64, tpu.core_type = #tpu.core_type<tc>} {
    %get3A = arith.constant 0 : index
    %get3A_0 = arith.constant 0 : index
    %get3A_1 = arith.constant 0 : index
    %get3A_2 = vector.load %arg0[%get3A, %get3A_0, %get3A_1] : memref<1x6x128xf32, #tpu.memory_space<vmem>>, vector<1x6x128xf32>
    %reduce_sum3A = arith.constant dense<0.000000e+00> : vector<6x128xf32>
    %reduce_sum3A_3 = vector.multi_reduction <add>, %get3A_2, %reduce_sum3A [0] : vector<1x6x128xf32> to vector<6x128xf32>
    %get3A_4 = arith.constant 0 : index
    %get3A_5 = arith.constant 0 : index
    %get3A_6 = arith.constant 0 : index
    %get3A_7 = vector.load %arg1[%get3A_4, %get3A_5, %get3A_6] : memref<16x5x16xf32, #tpu.memory_space<vmem>>, vector<16x5x16xf32>
    %reduce_sum3A_8 = arith.constant dense<0.000000e+00> : vector<5x16xf32>
    %reduce_sum3A_9 = vector.multi_reduction <add>, %get3A_7, %reduce_sum3A_8 [0] : vector<16x5x16xf32> to vector<5x16xf32>
    %reduce_sum3A_10 = arith.constant dense<0.000000e+00> : vector<5xf32>
    %reduce_sum3A_11 = vector.multi_reduction <add>, %reduce_sum3A_9, %reduce_sum3A_10 [1] : vector<5x16xf32> to vector<5xf32>
    %broadcast_in_dim3A = vector.shape_cast %reduce_sum3A_11 : vector<5xf32> to vector<5x1xf32>
    %max3A = arith.constant 1.000000e+00 : f32
    %max3A_12 = vector.broadcast %max3A : f32 to vector<5x1xf32>
    %max3A_13 = arith.maximumf %broadcast_in_dim3A, %max3A_12 : vector<5x1xf32>
    %slice3A = vector.extract_strided_slice %reduce_sum3A_3 {offsets = [0, 0], sizes = [5, 128], strides = [1, 1]} : vector<6x128xf32> to vector<5x128xf32>
    %div3A = vector.broadcast %max3A_13 : vector<5x1xf32> to vector<5x128xf32>
    %div3A_14 = arith.divf %slice3A, %div3A : vector<5x128xf32>
    %get3A_15 = arith.constant 0 : index
    %get3A_16 = arith.constant 0 : index
    %get3A_17 = vector.load %arg3[%get3A_15, %get3A_16] : memref<5x5xf32, #tpu.memory_space<vmem>>, vector<5x5xf32>
    %dot_general3A = arith.constant dense<0.000000e+00> : vector<5x128xf32>
    %dot_general3A_18 = tpu.matmul %get3A_17, %div3A_14, %dot_general3A {dimension_numbers = #tpu.dot_dimension_numbers<[0], [0], [1], [1], [0, 1, 1, 1], [], []>, precision = #tpu.contract_precision<fp32>, transpose_lhs_hint = false} : vector<5x5xf32>, vector<5x128xf32>, vector<5x128xf32> -> vector<5x128xf32>
    %get3A_19 = arith.constant 0 : index
    %get3A_20 = arith.constant 0 : index
    %get3A_21 = vector.load %arg2[%get3A_19, %get3A_20] : memref<1x128xf32, #tpu.memory_space<vmem>>, vector<1x128xf32>
    %get3A_22 = arith.constant 0 : index
    %get3A_23 = arith.constant 0 : index
    %get3A_24 = vector.load %arg5[%get3A_22, %get3A_23] : memref<128x128xf32, #tpu.memory_space<vmem>>, vector<128x128xf32>
    %dot_general3A_25 = arith.constant dense<0.000000e+00> : vector<1x128xf32>
    %dot_general3A_26 = tpu.matmul %get3A_21, %get3A_24, %dot_general3A_25 {dimension_numbers = #tpu.dot_dimension_numbers<[1], [0], [0], [1], [0, 0, 1, 1], [], []>, precision = #tpu.contract_precision<fp32>, transpose_lhs_hint = false} : vector<1x128xf32>, vector<128x128xf32>, vector<1x128xf32> -> vector<1x128xf32>
    %get3A_27 = arith.constant 0 : index
    %get3A_28 = arith.constant 0 : index
    %get3A_29 = vector.load %arg6[%get3A_27, %get3A_28] : memref<1x128xf32, #tpu.memory_space<vmem>>, vector<1x128xf32>
    %add3A = arith.addf %dot_general3A_26, %get3A_29 : vector<1x128xf32>
    %slice3A_30 = vector.extract_strided_slice %dot_general3A_18 {offsets = [0, 0], sizes = [1, 128], strides = [1, 1]} : vector<5x128xf32> to vector<1x128xf32>
    %get3A_31 = arith.constant 0 : index
    %get3A_32 = arith.constant 0 : index
    %get3A_33 = vector.load %arg4[%get3A_31, %get3A_32] : memref<640x128xf32, #tpu.memory_space<vmem>>, vector<128x128xf32>
    %dot_general3A_34 = arith.constant dense<0.000000e+00> : vector<1x128xf32>
    %dot_general3A_35 = tpu.matmul %slice3A_30, %get3A_33, %dot_general3A_34 {dimension_numbers = #tpu.dot_dimension_numbers<[1], [0], [0], [1], [0, 0, 1, 1], [], []>, precision = #tpu.contract_precision<fp32>, transpose_lhs_hint = false} : vector<1x128xf32>, vector<128x128xf32>, vector<1x128xf32> -> vector<1x128xf32>
    %add3A_36 = arith.addf %add3A, %dot_general3A_35 : vector<1x128xf32>
    %slice3A_37 = vector.extract_strided_slice %dot_general3A_18 {offsets = [1, 0], sizes = [1, 128], strides = [1, 1]} : vector<5x128xf32> to vector<1x128xf32>
    %get3A_38 = arith.constant 128 : index
    %get3A_39 = arith.constant 0 : index
    %get3A_40 = vector.load %arg4[%get3A_38, %get3A_39] : memref<640x128xf32, #tpu.memory_space<vmem>>, vector<128x128xf32>
    %dot_general3A_41 = arith.constant dense<0.000000e+00> : vector<1x128xf32>
    %dot_general3A_42 = tpu.matmul %slice3A_37, %get3A_40, %dot_general3A_41 {dimension_numbers = #tpu.dot_dimension_numbers<[1], [0], [0], [1], [0, 0, 1, 1], [], []>, precision = #tpu.contract_precision<fp32>, transpose_lhs_hint = false} : vector<1x128xf32>, vector<128x128xf32>, vector<1x128xf32> -> vector<1x128xf32>
    %add3A_43 = arith.addf %add3A_36, %dot_general3A_42 : vector<1x128xf32>
    %slice3A_44 = vector.extract_strided_slice %dot_general3A_18 {offsets = [2, 0], sizes = [1, 128], strides = [1, 1]} : vector<5x128xf32> to vector<1x128xf32>
    %get3A_45 = arith.constant 256 : index
    %get3A_46 = arith.constant 0 : index
    %get3A_47 = vector.load %arg4[%get3A_45, %get3A_46] : memref<640x128xf32, #tpu.memory_space<vmem>>, vector<128x128xf32>
    %dot_general3A_48 = arith.constant dense<0.000000e+00> : vector<1x128xf32>
    %dot_general3A_49 = tpu.matmul %slice3A_44, %get3A_47, %dot_general3A_48 {dimension_numbers = #tpu.dot_dimension_numbers<[1], [0], [0], [1], [0, 0, 1, 1], [], []>, precision = #tpu.contract_precision<fp32>, transpose_lhs_hint = false} : vector<1x128xf32>, vector<128x128xf32>, vector<1x128xf32> -> vector<1x128xf32>
    %add3A_50 = arith.addf %add3A_43, %dot_general3A_49 : vector<1x128xf32>
    %slice3A_51 = vector.extract_strided_slice %dot_general3A_18 {offsets = [3, 0], sizes = [1, 128], strides = [1, 1]} : vector<5x128xf32> to vector<1x128xf32>
    %get3A_52 = arith.constant 384 : index
    %get3A_53 = arith.constant 0 : index
    %get3A_54 = vector.load %arg4[%get3A_52, %get3A_53] : memref<640x128xf32, #tpu.memory_space<vmem>>, vector<128x128xf32>
    %dot_general3A_55 = arith.constant dense<0.000000e+00> : vector<1x128xf32>
    %dot_general3A_56 = tpu.matmul %slice3A_51, %get3A_54, %dot_general3A_55 {dimension_numbers = #tpu.dot_dimension_numbers<[1], [0], [0], [1], [0, 0, 1, 1], [], []>, precision = #tpu.contract_precision<fp32>, transpose_lhs_hint = false} : vector<1x128xf32>, vector<128x128xf32>, vector<1x128xf32> -> vector<1x128xf32>
    %add3A_57 = arith.addf %add3A_50, %dot_general3A_56 : vector<1x128xf32>
    %slice3A_58 = vector.extract_strided_slice %dot_general3A_18 {offsets = [4, 0], sizes = [1, 128], strides = [1, 1]} : vector<5x128xf32> to vector<1x128xf32>
    %get3A_59 = arith.constant 512 : index
    %get3A_60 = arith.constant 0 : index
    %get3A_61 = vector.load %arg4[%get3A_59, %get3A_60] : memref<640x128xf32, #tpu.memory_space<vmem>>, vector<128x128xf32>
    %dot_general3A_62 = arith.constant dense<0.000000e+00> : vector<1x128xf32>
    %dot_general3A_63 = tpu.matmul %slice3A_58, %get3A_61, %dot_general3A_62 {dimension_numbers = #tpu.dot_dimension_numbers<[1], [0], [0], [1], [0, 0, 1, 1], [], []>, precision = #tpu.contract_precision<fp32>, transpose_lhs_hint = false} : vector<1x128xf32>, vector<128x128xf32>, vector<1x128xf32> -> vector<1x128xf32>
    %add3A_64 = arith.addf %add3A_57, %dot_general3A_63 : vector<1x128xf32>
    %max3A_65 = arith.constant 0.000000e+00 : f32
    %max3A_66 = vector.broadcast %max3A_65 : f32 to vector<1x128xf32>
    %max3A_67 = arith.maximumf %add3A_64, %max3A_66 : vector<1x128xf32>
    %get3A_68 = arith.constant 0 : index
    %get3A_69 = arith.constant 0 : index
    %get3A_70 = vector.load %arg7[%get3A_68, %get3A_69] : memref<5000x128xf32, #tpu.memory_space<vmem>>, vector<5000x128xf32>
    %dot_general3A_71 = arith.constant dense<0.000000e+00> : vector<1x5000xf32>
    %dot_general3A_72 = tpu.matmul %max3A_67, %get3A_70, %dot_general3A_71 {dimension_numbers = #tpu.dot_dimension_numbers<[1], [1], [0], [0], [0, 0, 1, 0], [], []>, precision = #tpu.contract_precision<fp32>, transpose_lhs_hint = false} : vector<1x128xf32>, vector<5000x128xf32>, vector<1x5000xf32> -> vector<1x5000xf32>
    %get3A_73 = arith.constant 0 : index
    %get3A_74 = arith.constant 0 : index
    %get3A_75 = vector.load %arg8[%get3A_73, %get3A_74] : memref<1x5000xf32, #tpu.memory_space<vmem>>, vector<1x5000xf32>
    %add3A_76 = arith.addf %dot_general3A_72, %get3A_75 : vector<1x5000xf32>
    %reduce_max3A = vector.shape_cast %add3A_76 : vector<1x5000xf32> to vector<1x1x5000xf32>
    %reduce_max3A_77 = arith.constant dense<0xFF800000> : vector<1xf32>
    %reduce_max3A_78 = vector.multi_reduction <maximumf>, %reduce_max3A, %reduce_max3A_77 [1, 2] : vector<1x1x5000xf32> to vector<1xf32>
    %reduce_max3A_79 = vector.shape_cast %reduce_max3A_78 : vector<1xf32> to vector<1x1x1xf32>
    %reduce_max3A_80 = vector.extract %reduce_max3A_79[0, 0, 0] : f32 from vector<1x1x1xf32>
    %sub3A = vector.broadcast %reduce_max3A_80 : f32 to vector<1x5000xf32>
    %sub3A_81 = arith.subf %add3A_76, %sub3A : vector<1x5000xf32>
    %sub3A_82 = vector.broadcast %reduce_max3A_80 : f32 to vector<1x5000xf32>
    %sub3A_83 = arith.subf %add3A_76, %sub3A_82 : vector<1x5000xf32>
    %exp3A = math.exp %sub3A_83 : vector<1x5000xf32>
    %reduce_sum3A_84 = vector.shape_cast %exp3A : vector<1x5000xf32> to vector<1x1x5000xf32>
    %reduce_sum3A_85 = arith.constant dense<0.000000e+00> : vector<1xf32>
    %reduce_sum3A_86 = vector.multi_reduction <add>, %reduce_sum3A_84, %reduce_sum3A_85 [1, 2] : vector<1x1x5000xf32> to vector<1xf32>
    %reduce_sum3A_87 = vector.shape_cast %reduce_sum3A_86 : vector<1xf32> to vector<1x1x1xf32>
    %reduce_sum3A_88 = vector.extract %reduce_sum3A_87[0, 0, 0] : f32 from vector<1x1x1xf32>
    %log3A = math.log %reduce_sum3A_88 : f32
    %sub3A_89 = vector.broadcast %log3A : f32 to vector<1x5000xf32>
    %sub3A_90 = arith.subf %sub3A_81, %sub3A_89 : vector<1x5000xf32>
    %swap3A = arith.constant 0 : index
    %swap3A_91 = arith.constant 0 : index
    %swap3A_92 = vector.load %arg11[%swap3A, %swap3A_91] : memref<1x5000xf32, #tpu.memory_space<vmem>>, vector<1x5000xf32>
    tpu.vector_store %arg11[%swap3A, %swap3A_91], %sub3A_90 {strides = array<i32>} : memref<1x5000xf32, #tpu.memory_space<vmem>>, vector<1x5000xf32>,
    %get3A_93 = arith.constant 0 : index
    %get3A_94 = arith.constant 0 : index
    %get3A_95 = vector.load %arg9[%get3A_93, %get3A_94] : memref<4000x128xf32, #tpu.memory_space<vmem>>, vector<4000x128xf32>
    %dot_general3A_96 = arith.constant dense<0.000000e+00> : vector<1x4000xf32>
    %dot_general3A_97 = tpu.matmul %max3A_67, %get3A_95, %dot_general3A_96 {dimension_numbers = #tpu.dot_dimension_numbers<[1], [1], [0], [0], [0, 0, 1, 0], [], []>, precision = #tpu.contract_precision<fp32>, transpose_lhs_hint = false} : vector<1x128xf32>, vector<4000x128xf32>, vector<1x4000xf32> -> vector<1x4000xf32>
    %get3A_98 = arith.constant 0 : index
    %get3A_99 = arith.constant 0 : index
    %get3A_100 = vector.load %arg10[%get3A_98, %get3A_99] : memref<1x4000xf32, #tpu.memory_space<vmem>>, vector<1x4000xf32>
    %add3A_101 = arith.addf %dot_general3A_97, %get3A_100 : vector<1x4000xf32>
    %reduce_max3A_102 = vector.shape_cast %add3A_101 : vector<1x4000xf32> to vector<1x1x4000xf32>
    %reduce_max3A_103 = arith.constant dense<0xFF800000> : vector<1xf32>
    %reduce_max3A_104 = vector.multi_reduction <maximumf>, %reduce_max3A_102, %reduce_max3A_103 [1, 2] : vector<1x1x4000xf32> to vector<1xf32>
    %reduce_max3A_105 = vector.shape_cast %reduce_max3A_104 : vector<1xf32> to vector<1x1x1xf32>
    %reduce_max3A_106 = vector.extract %reduce_max3A_105[0, 0, 0] : f32 from vector<1x1x1xf32>
    %sub3A_107 = vector.broadcast %reduce_max3A_106 : f32 to vector<1x4000xf32>
    %sub3A_108 = arith.subf %add3A_101, %sub3A_107 : vector<1x4000xf32>
    %sub3A_109 = vector.broadcast %reduce_max3A_106 : f32 to vector<1x4000xf32>
    %sub3A_110 = arith.subf %add3A_101, %sub3A_109 : vector<1x4000xf32>
    %exp3A_111 = math.exp %sub3A_110 : vector<1x4000xf32>
    %reduce_sum3A_112 = vector.shape_cast %exp3A_111 : vector<1x4000xf32> to vector<1x1x4000xf32>
    %reduce_sum3A_113 = arith.constant dense<0.000000e+00> : vector<1xf32>
    %reduce_sum3A_114 = vector.multi_reduction <add>, %reduce_sum3A_112, %reduce_sum3A_113 [1, 2] : vector<1x1x4000xf32> to vector<1xf32>
    %reduce_sum3A_115 = vector.shape_cast %reduce_sum3A_114 : vector<1xf32> to vector<1x1x1xf32>
    %reduce_sum3A_116 = vector.extract %reduce_sum3A_115[0, 0, 0] : f32 from vector<1x1x1xf32>
    %log3A_117 = math.log %reduce_sum3A_116 : f32
    %sub3A_118 = vector.broadcast %log3A_117 : f32 to vector<1x4000xf32>
    %sub3A_119 = arith.subf %sub3A_108, %sub3A_118 : vector<1x4000xf32>
    %swap3A_120 = arith.constant 0 : index
    %swap3A_121 = arith.constant 0 : index
    %swap3A_122 = vector.load %arg12[%swap3A_120, %swap3A_121] : memref<1x4000xf32, #tpu.memory_space<vmem>>, vector<1x4000xf32>
    tpu.vector_store %arg12[%swap3A_120, %swap3A_121], %sub3A_119 {strides = array<i32>} : memref<1x4000xf32, #tpu.memory_space<vmem>>, vector<1x4000xf32>,
    return
  }
}

</mosaic_0001>

<sc_bundles>
// kernel: kernel.4.cloned.1.call-start
scs
__scs_entry_jumppad:
0x0: {  	(pc) =	sbr.rel $0x88, $3  }
0x1: {  	(tag) =	ssettag $0x0;
	lr =	simm.s32 $0x1  }
0x2: {  	[smem:$0x3F96] =	sst lr;
	_ =	strace $0xD0000000  }
0x3: {  	_ = 	snop  }
0x4: {  	_ = 	snop  }
0x5: {  	_ = 	snop  }
0x6: {  	_ = 	snop  }
0x7: {  	_ = 	snop  }
__scs_overlays_trampoline_lowered:
0x8: {  	[smem:$0x3FA5] =	sst s0  }
0x9: {  	[smem:$0x3FA6] =	sst s1  }
0xa: {  	[smem:$0x3FA7] =	sst s2  }
0xb: {  	[smem:$0x3FA8] =	sst s3  }
0xc: {  	[smem:$0x3FA9] =	sst s4  }
0xd: {  	[smem:$0x3FAA] =	sst s5  }
0xe: {  	[smem:$0x3FAB] =	sst s6  }
0xf: {  	[smem:$0x3FAC] =	sst s7  }
0x10: {  	[smem:$0x3FAD] =	sst s8  }
0x11: {  	[smem:$0x3FAE] =	sst s9;
	s0 =	simm.s32 @!p0 $0x0  }
0x12: {  	s1 =	sld [smem:$0x3F94];
	s0 =	simm.s32 @p0 $0x1  }
0x13: {  	[smem:$0x3FAF] =	sst s0;
	s0 =	simm.s32 @!p1 $0x0  }
0x14: {  	s2 =	sld [smem:$0x3F93];
	s0 =	simm.s32 @p1 $0x1  }
0x15: {  	[smem:$0x3FB0] =	sst s0;
	s0 =	simm.s32 @!p2 $0x0  }
0x16: {  	s3 =	sld [smem:$0x3FDB];
	s0 =	simm.s32 @p2 $0x1  }
0x17: {  	s4 =	simm.s32 $0x1BF5;
	[smem:$0x3FB2] =	sst s0  }
0x18: {  	s0 =	sld [smem:$0x3F95];
	_ =	swait.ge [sflag:s4], $0x0  }
0x19: {  	s7 =	sld [smem:$0x3F96]  }
0x1a: {  	s8 =	sadd.s32 $0xFFFFE003, lr  }
0x1b: {  	s9 =	sadd.s32 $0xFFFFFEF7, lr;
	s5 =	simm.s32 $0xFFFFFFFF;
	p2 =	slt.u32 s8, $0xFFFFF086  }
0x1c: {  	p1 =	slt.u32 s9, $0xF7A;
	s5 =	simm.s32 @!p2 $0x0  }
0x1d: {  	s5 =	simm.s32 @p1 $0x1;
	p0 =	seq.s32 s7, s2  }
0x1e: {  	s7 =	smul.u32 @!p0 $0xF7A, s2;
	p2 =	seq.s32 @!p0 s5, $0x0  }
0x1f: {  	s9 =	smul.u32 $0xF7A, s1;
	s8 =	simm.s32 @!p0 $0x1BF5;
	p2 =	por !p2, p0  }
0x20: {  	[sflag:s8] =	ssyncset.s32 @!p0 $0xFFFFF086;
	s6 =	sadd.s32 @!p0 s3, s7;
	s7 =	simm.s32 @!p0 $0x108  }
0x21: {  	s3 =	sadd.s32 s3, s9;
	s6 =	sadd.s32 @!p0 $0x88, s6;
	s7 =	simm.s32 @p2 $0x1082  }
0x22: {  	[simem:s7], [sflag:s8] =	dma.local @!p0 [hbm:s6], $0xF7A  }
0x23: {  	s9 =	sor.u32 $0xD0000000, s2;
	s6 =	simm.s32 $0x108;
	_ =	swait.ge @!p0 [sflag:s8], $0x0  }
0x24: {  	s3 =	sadd.s32 $0x88, s3;
	s6 =	simm.s32 @!p1 $0x1082;
	[sflag:s4] =	ssyncset.s32 $0xFFFFF086  }
0x25: {  	[simem:s6], [sflag:s4] =	dma.local [hbm:s3], $0xF7A  }
0x26: {  	[smem:$0x3F96] =	sst s1;
	(tag) =	ssettag s2;
	_ =	strace s9  }
0x27: {  	s1 =	sld [smem:$0x3FA6]  }
0x28: {  	s2 =	sld [smem:$0x3FA7]  }
0x29: {  	s4 =	sld [smem:$0x3FA9]  }
0x2a: {  	p0 =	seq.s32 s5, $0x0;
	s5 =	sld [smem:$0x3FAA]  }
0x2b: {  	s6 =	sld [smem:$0x3FAB]  }
0x2c: {  	s7 =	sld [smem:$0x3FAC]  }
0x2d: {  	s3 =	simm.s32 $0x108;
	s8 =	sld [smem:$0x3FAD]  }
0x2e: {  	s3 =	simm.s32 @!p0 $0x1082;
	s9 =	sld [smem:$0x3FAE]  }
0x2f: {  	lr =	sadd.s32 s0, s3;
	s0 =	sld [smem:$0x3FA5]  }
0x30: {  	s3 =	sld [smem:$0x3FA8]  }
0x31: {  	[smem:$0x3FB1] =	sst s10  }
0x32: {  	s10 =	sld [smem:$0x3FAF];
	_ =	sdelay $0x3  }
0x33: {  	p0 =	seq.s32 s10, $0x1;
	s10 =	sld [smem:$0x3FB1];
	_ =	sdelay $0x3  }
0x34: {  	[smem:$0x3FB1] =	sst s10  }
0x35: {  	s10 =	sld [smem:$0x3FB0];
	_ =	sdelay $0x3  }
0x36: {  	p1 =	seq.s32 s10, $0x1;
	s10 =	sld [smem:$0x3FB1];
	_ =	sdelay $0x3  }
0x37: {  	[smem:$0x3FB1] =	sst s10  }
0x38: {  	s10 =	sld [smem:$0x3FB2]  }
0x39: {  	_ = 	snop;
	(pc) =	sbr.ind lr, $3  }
0x3a: {  	_ = 	snop  }
0x3b: {  	_ = 	snop  }
0x3c: {  	p2 =	seq.s32 s10, $0x1;
	s10 =	sld [smem:$0x3FB1]  }
0x3d: {  	_ =	shalt  }
0x3e: {  	_ =	shalt  }
0x3f: {  	_ =	shalt  }
0x40: {  	_ =	shalt  }
0x41: {  	_ =	shalt  }
0x42: {  	_ =	shalt  }
0x43: {  	_ =	shalt  }
0x44: {  	_ =	shalt  }
0x45: {  	_ =	shalt  }
0x46: {  	_ =	shalt  }
0x47: {  	_ =	shalt  }
0x48: {  	_ =	shalt  }
0x49: {  	_ =	shalt  }
0x4a: {  	_ =	shalt  }
0x4b: {  	_ =	shalt  }
0x4c: {  	_ =	shalt  }
0x4d: {  	_ =	shalt  }
0x4e: {  	_ =	shalt  }
0x4f: {  	_ =	shalt  }
0x50: {  	_ =	shalt  }
0x51: {  	_ =	shalt  }
0x52: {  	_ =	shalt  }
0x53: {  	_ =	shalt  }
0x54: {  	_ =	shalt  }
0x55: {  	_ =	shalt  }
0x56: {  	_ =	shalt  }
0x57: {  	_ =	shalt  }
0x58: {  	_ =	shalt  }
0x59: {  	_ =	shalt  }
0x5a: {  	_ =	shalt  }
0x5b: {  	_ =	shalt  }
0x5c: {  	_ =	shalt  }
0x5d: {  	_ =	shalt  }
0x5e: {  	_ =	shalt  }
0x5f: {  	_ =	shalt  }
0x60: {  	_ =	shalt  }
0x61: {  	_ =	shalt  }
0x62: {  	_ =	shalt  }
0x63: {  	_ =	shalt  }
0x64: {  	_ =	shalt  }
0x65: {  	_ =	shalt  }
0x66: {  	_ =	shalt  }
0x67: {  	_ =	shalt  }
0x68: {  	_ =	shalt  }
0x69: {  	_ =	shalt  }
0x6a: {  	_ =	shalt  }
0x6b: {  	_ =	shalt  }
0x6c: {  	_ =	shalt  }
0x6d: {  	_ =	shalt  }
0x6e: {  	_ =	shalt  }
0x6f: {  	_ =	shalt  }
0x70: {  	_ =	shalt  }
0x71: {  	_ =	shalt  }
0x72: {  	_ =	shalt  }
0x73: {  	_ =	shalt  }
0x74: {  	_ =	shalt  }
0x75: {  	_ =	shalt  }
0x76: {  	_ =	shalt  }
0x77: {  	_ =	shalt  }
0x78: {  	_ =	shalt  }
0x79: {  	_ =	shalt  }
0x7a: {  	_ =	shalt  }
0x7b: {  	_ =	shalt  }
0x7c: {  	_ =	shalt  }
0x7d: {  	_ =	shalt  }
0x7e: {  	_ =	shalt  }
0x7f: {  	_ =	shalt  }
0x80: {  	_ =	shalt  }
0x81: {  	_ =	shalt  }
0x82: {  	_ =	shalt  }
0x83: {  	_ =	shalt  }
0x84: {  	_ =	shalt  }
0x85: {  	_ =	shalt  }
0x86: {  	_ =	shalt  }
0x87: {  	_ =	shalt  }
.Lfunc_end0:
.L_simem_size_0:
called_computation_lowered:
.L_overlay_start_0:
0x88: {  	s0 =	sld [smem:$0x3FD9]  }
0x89: {  	s1 =	sld [smem:$0x3FFE];
	_ =	sdelay $0x3  }
0x8a: {  	s0 =	sadd.s32 s1, s0  }
0x8b: {  	[smem:$0x3FBD] =	sst s0  }
0x8c: {  	_ = 	snop  }
0x8d: {  	s0 =	sld [smem:$0x3FD0];
	_ =	sdelay $0x1  }
0x8e: {  	s13 =	sld [smem:$0x3FC9]  }
0x8f: {  	s3 =	simm.s32 $0xA;
	s4 =	simm.s32 $0x10;
	s2 =	sld [smem:$0x3FC7]  }
0x90: {  	[smem:s4], [sflag:s3] =	dma.local [hbm:s0], $0x1  }
0x91: {  	_ =	swait.eq [sflag:s3], $0x1  }
0x92: {  	[sflag:s3] =	ssyncset.done $0x0  }
0x93: {  	[sflag:s3] =	ssyncadd.s32 $0xFFFFFFFF  }
0x94: {  	s14 =	sld [smem:$0x11];
	(tm) =	ssettm $0x1  }
0x95: {  	s15 =	sld [smem:$0x3FFB];
	_ =	sdelay $0x3  }
0x96: {  	_ =	strace s15  }
0x97: {  	s3 =	sld [smem:$0x3FFC];
	_ =	sdelay $0x3  }
0x98: {  	_ =	strace s3  }
0x99: {  	s3 =	sld [smem:$0x3FFD];
	_ =	sdelay $0x3  }
0x9a: {  	_ =	strace s3  }
0x9b: {  	_ =	strace $0x8FFFFFFF  }
0x9c: {  	s16 =	sld [smem:$0x3FDB];
	_ =	sdelay $0x1  }
0x9d: {  	s17 =	simm.s32 $_scs_section_size  }
0x9e: {  	s5 =	simm.s32 $_size__tile_overlayer_lowered;
	s6 =	simm.s32 $_tile_overlayer_lowered  }
0x9f: {  	s20 =	simm.s32 $0x1BFF;
	s19 =	sshll.u32 s6, $0x1;
	s3 =	sadd.s32 s17, s16  }
0xa0: {  	s7 =	simm.s32 $0x0;
	s18 =	sshll.u32 s5, $0x1;
	s5 =	sadd.s32 s19, s3  }
0xa1: {  	[timem:s7], [sflag:s20] =	dma.local [hbm:s5], s18  }
0xa2: {  	_ =	swait.ge [sflag:s20], s18  }
0xa3: {  	s4 =	ssub.s32 $0x0, s18;
	[sflag:s20] =	ssyncset.done $0x0  }
0xa4: {  	[sflag:s20] =	ssyncadd.s32 s4;
	_ =	sdelay $0x1  }
0xa5: {  	s21 =	simm.s32 $0x1B8B  }
0xa6: {  	_ =	swait.ge [sflag:s21], $0x1  }
0xa7: {  	[sflag:s21] =	ssyncset.done $0x0  }
0xa8: {  	s23 =	simm.s32 $0x1B8E;
	s22 =	sld [smem:$0x3FFE];
	[sflag:s21] =	ssyncadd.s32 $0xFFFFFFFF  }
0xa9: {  	s24 =	simm.s32 $execute0_lowered;
	[smem:$0x3FD2] =	sst s23  }
0xaa: {  	s5 =	sshll.u32 s24, $0x1;
	_ =	strace $0x80000046;
	[dreg:$0x1] =	wrdreg $0xFFFFFFFF  }
0xab: {  	s25 =	simm.s32 $_size_execute0_lowered;
	s3 =	sadd.s32 s3, s5;
	[dreg:$0x0] =	wrdreg $0x0  }
0xac: {  	s5 =	sshll.u32 s25, $0x1;
	[dreg:$0x2] =	wrdreg s3  }
0xad: {  	[dreg:$0x3] =	wrdreg s5  }
0xae: {  	[dreg:$0x4] =	wrdreg $0xC0  }
0xaf: {  	_ =	task [dreg:s7], $0x5FFFF  }
0xb0: {  	[dreg:$0x1] =	wrdreg $0xFFFFFFFF  }
0xb1: {  	[dreg:$0x0] =	wrdreg $0x60  }
0xb2: {  	[dreg:$0x2] =	wrdreg s13  }
0xb3: {  	[dreg:$0x3] =	wrdreg s22  }
0xb4: {  	[dreg:$0x4] =	wrdreg s2  }
0xb5: {  	[dreg:$0x5] =	wrdreg s14  }
0xb6: {  	[dreg:$0x6] =	wrdreg $0x66800  }
0xb7: {  	[dreg:$0x7] =	wrdreg $0x9  }
0xb8: {  	_ =	task.clear_ibuf [dreg:s7], $0x8FFFF;
	_ =	strace $0x90000046  }
0xb9: {  	s26 =	simm.s32 $0x9;
	_ =	strace $0x80000048  }
0xba: {  	_ =	swait.ge [sflag:s26], $0x1  }
0xbb: {  	[sflag:s26] =	ssyncadd.s32 $0xFFFFFFFF  }
0xbc: {  	_ =	strace $0x90000048  }
0xbd: {  	_ =	sfence  }
0xbe: {  	s28 =	sld [smem:$0x0];
	_ =	sdelay $0x1  }
0xbf: {  	s29 =	srdreg.scid  }
0xc0: {  	s30 =	sshll.u32 s29, $0xD;
	s31 =	sshrl.u32 s29, $0x2  }
0xc1: {  	s1 =	sand.u32 $0x1, s29;
	s2 =	sand.u32 $0x4000, s30;
	s0 =	sadd.s32 s31, s28  }
0xc2: {  	s1 =	sor.u32 s2, s1;
	s0 =	sshll.u32 s0, $0x11  }
0xc3: {  	s0 =	sor.u32 s0, s1  }
0xc4: {  	s0 =	sadd.s32 $0x8F2B, s0  }
0xc5: {  	[sflag:s0] =	ssyncadd.remote.s32 $0x1  }
0xc6: {  	_ =	sfence.sel $0xFFFF  }
0xc7: {  	[dreg:$0x0] =	wrdreg $0xFFFFFFFF;
	(pc) =	sbr.abs _section_cstart, $3  }
0xc8: {  	[dreg:$0x1] =	wrdreg $0xFFFFFFFF  }
0xc9: {  	_ =	task.clear_ibuf [dreg:s7], $0x2FFFF;
	_ =	strace $0x9FFFFFFF  }
0xca: {  	(tm) =	ssettm $0x7FFFFFFF  }
0xcb: {  	_ =	shalt  }
tec
execute0_lowered:
.L_overlay_start_1:
0x0: {  	(tag) =	ssettag $0x1  }
0x1: {  	s3 =	rddreg [dreg:$0x0]  }
0x2: {  	s8 =	rddreg [dreg:$0x1]  }
0x3: {  	s4 =	rddreg [dreg:$0x2]  }
0x4: {  	s1 =	rddreg [dreg:$0x3];
	s9 =	stileid.u32  }
0x5: {  	s2 =	rddreg [dreg:$0x4];
	s5 =	smul.u32 $0x4E20, s9  }
0x6: {  	s0 =	rddreg [dreg:$0x5]  }
0x7: {  	s6 =	simm.s32 $0x0;
	s7 =	sadd.s32 $0x1E00, s8;
	s10 =	sshrl.u32 s5, $0x3  }
0x8: {  	[smem:$0x7FF] =	sst s6;
	s10 =	sadd.s32 s7, s10  }
0x9: {  	p0 =	sne.s32 s9, $0x0;
	_ =	strace $0x80000047;
	s10 =	sadd.s32 $0x9C40, s10  }
0xa: {  	v0 =	vimm.f32 @!p0 $0.0e+00;
	[tilespmem:s6], [sflag:$0x1] =	stream.linear.gather [hbm4b:s10+s6], $0x4E20, $0x38;
	[tilespmem:$0x66B0] =	vst v63  }
0xb: {  	[tilespmem:$0x6280] =	vst @!p0 v0  }
0xc: {  	[tilespmem:$0x6290] =	vst @!p0 v0  }
0xd: {  	[tilespmem:$0x62A0] =	vst @!p0 v0  }
0xe: {  	[tilespmem:$0x62B0] =	vst @!p0 v0  }
0xf: {  	[tilespmem:$0x62C0] =	vst @!p0 v0  }
0x10: {  	[tilespmem:$0x62D0] =	vst @!p0 v0  }
0x11: {  	[tilespmem:$0x62E0] =	vst @!p0 v0  }
0x12: {  	[tilespmem:$0x62F0] =	vst @!p0 v0  }
0x13: {  	[tilespmem:$0x6300] =	vst @!p0 v0  }
0x14: {  	[tilespmem:$0x6310] =	vst @!p0 v0  }
0x15: {  	[tilespmem:$0x6320] =	vst @!p0 v0  }
0x16: {  	[tilespmem:$0x6330] =	vst @!p0 v0  }
0x17: {  	[tilespmem:$0x6340] =	vst @!p0 v0  }
0x18: {  	[tilespmem:$0x6350] =	vst @!p0 v0  }
0x19: {  	[tilespmem:$0x6360] =	vst @!p0 v0  }
0x1a: {  	[tilespmem:$0x6370] =	vst @!p0 v0  }
0x1b: {  	[tilespmem:$0x6380] =	vst @!p0 v0  }
0x1c: {  	[tilespmem:$0x6390] =	vst @!p0 v0  }
0x1d: {  	[tilespmem:$0x63A0] =	vst @!p0 v0  }
0x1e: {  	[tilespmem:$0x63B0] =	vst @!p0 v0  }
0x1f: {  	[tilespmem:$0x63C0] =	vst @!p0 v0  }
0x20: {  	[tilespmem:$0x63D0] =	vst @!p0 v0  }
0x21: {  	[tilespmem:$0x63E0] =	vst @!p0 v0  }
0x22: {  	[tilespmem:$0x63F0] =	vst @!p0 v0  }
0x23: {  	[tilespmem:$0x6400] =	vst @!p0 v0  }
0x24: {  	[tilespmem:$0x6410] =	vst @!p0 v0  }
0x25: {  	[tilespmem:$0x6420] =	vst @!p0 v0  }
0x26: {  	[tilespmem:$0x6430] =	vst @!p0 v0  }
0x27: {  	[tilespmem:$0x6440] =	vst @!p0 v0  }
0x28: {  	[tilespmem:$0x6450] =	vst @!p0 v0  }
0x29: {  	[tilespmem:$0x6460] =	vst @!p0 v0  }
0x2a: {  	[tilespmem:$0x6470] =	vst @!p0 v0  }
0x2b: {  	[tilespmem:$0x6480] =	vst @!p0 v0  }
0x2c: {  	[tilespmem:$0x6490] =	vst @!p0 v0  }
0x2d: {  	[tilespmem:$0x64A0] =	vst @!p0 v0  }
0x2e: {  	[tilespmem:$0x64B0] =	vst @!p0 v0  }
0x2f: {  	[tilespmem:$0x64C0] =	vst @!p0 v0  }
0x30: {  	[tilespmem:$0x64D0] =	vst @!p0 v0  }
0x31: {  	[tilespmem:$0x64E0] =	vst @!p0 v0  }
0x32: {  	[tilespmem:$0x64F0] =	vst @!p0 v0  }
0x33: {  	[tilespmem:$0x6500] =	vst @!p0 v0  }
0x34: {  	[tilespmem:$0x6510] =	vst @!p0 v0  }
0x35: {  	[tilespmem:$0x6520] =	vst @!p0 v0  }
0x36: {  	[tilespmem:$0x6530] =	vst @!p0 v0  }
0x37: {  	[tilespmem:$0x6540] =	vst @!p0 v0  }
0x38: {  	[tilespmem:$0x6550] =	vst @!p0 v0  }
0x39: {  	[tilespmem:$0x6560] =	vst @!p0 v0  }
0x3a: {  	s10 =	simm.s32 @!p0 $0x6280;
	[tilespmem:$0x6570] =	vst @!p0 v0  }
0x3b: {  	[spmem:s2] =	stream.linear.scatter @!p0 [tilespmem:s10], [sflag:$0x2], $0x300, $0x38;
	[tilespmem:$0x66B0] =	vst v63  }
0x3c: {  	s10 =	simm.s32 @!p0 $0x2  }
0x3d: {  	_ =	swait.ge @!p0 [sflag:s10], $0x300  }
0x3e: {  	[sflag:s10] =	ssyncset.done @!p0 $0x0  }
0x3f: {  	v0 =	vimm.f32 $0.0e+00;
	[sflag:s10] =	ssyncadd.s32 @!p0 $0xFFFFFD00  }
0x40: {  	[tilespmem:$0x5E80] =	vst v0  }
0x41: {  	[tilespmem:$0x5F00] =	vst v0  }
0x42: {  	[tilespmem:$0x5F80] =	vst v0  }
0x43: {  	[tilespmem:$0x6000] =	vst v0  }
0x44: {  	s31 =	simm.s32 $0x1;
	[tilespmem:$0x6080] =	vst v0  }
.Ltmp0:
0x45: {  	_ =	swait.ge [sflag:s31], $0x4E20;
	(pc) =	sbr.rel .LBB2_1-.Ltmp0, $4  }
0x46: {  	[sflag:s31] =	ssyncset.done $0x0  }
0x47: {  	s11 =	simm.s32 $0x5200;
	s9 =	sshll.u32 s9, $0x7;
	[sflag:s31] =	ssyncadd.s32 $0xFFFFB1E0  }
0x48: {  	s12 =	simm.s32 $0x0;
	s8 =	sadd.s32 s9, s8;
	[bflag:$0x0] =	sbarrier.arrive $0xFFFF  }
0x49: {  	s9 =	simm.s32 $0x4E80;
	s8 =	sadd.s32 $0x15800, s8;
	s10 =	simm.s32 $0x2  }
.LBB2_4:
0x4a: {  	[sflag:s14] =	ssyncset.done @p1 $0x0  }
0x4b: {  	[sflag:s14] =	ssyncadd.s32 @p1 $0xFFFFF800  }
.LBB2_5:
0x4c: {  	s12 =	sadd.s32 $0x1, s12  }
0x4d: {  	p1 =	sne.s32 s12, $0x19  }
.Ltmp1:
0x4e: {  	_ = 	snop;
	(pc) =	sbr.rel @!p1 .LBB2_6-.Ltmp1, $2  }
0x4f: {  	_ =	sdelay $0x2  }
0x50: {  	s6 =	sadd.s32 $0x320, s6  }
.LBB2_1:
0x51: {  	s13 =	smul.u32 $0x320, s12;
	_ =	sdelay $0x1  }
0x52: {  	v1 =	vld [tilespmem:s13+$0x0]  }
0x53: {  	v2 =	vld [tilespmem:s13+$0x10]  }
0x54: {  	v3 =	vld [tilespmem:s13+$0x20]  }
0x55: {  	v4 =	vld [tilespmem:s13+$0x30]  }
0x56: {  	v5 =	vld [tilespmem:s13+$0x40]  }
0x57: {  	v6 =	vld [tilespmem:s13+$0x50]  }
0x58: {  	v7 =	vld [tilespmem:s13+$0x60]  }
0x59: {  	v8 =	vld [tilespmem:s13+$0x70]  }
0x5a: {  	v10 =	vld [tilespmem:s13+$0x90]  }
0x5b: {  	v11 =	vld [tilespmem:s13+$0xA0]  }
0x5c: {  	v12 =	vld [tilespmem:s13+$0xB0]  }
0x5d: {  	v13 =	vld [tilespmem:s13+$0xC0]  }
0x5e: {  	v14 =	vld [tilespmem:s13+$0xD0]  }
0x5f: {  	v15 =	vld [tilespmem:s13+$0xE0]  }
0x60: {  	v16 =	vld [tilespmem:s13+$0xF0]  }
0x61: {  	v18 =	vld [tilespmem:s13+$0x110]  }
0x62: {  	v19 =	vld [tilespmem:s13+$0x120]  }
0x63: {  	v20 =	vld [tilespmem:s13+$0x130]  }
0x64: {  	v21 =	vld [tilespmem:s13+$0x140]  }
0x65: {  	v22 =	vld [tilespmem:s13+$0x150]  }
0x66: {  	v23 =	vld [tilespmem:s13+$0x160]  }
0x67: {  	v24 =	vld [tilespmem:s13+$0x170]  }
0x68: {  	v26 =	vld [tilespmem:s13+$0x190]  }
0x69: {  	v27 =	vld [tilespmem:s13+$0x1A0]  }
0x6a: {  	v28 =	vld [tilespmem:s13+$0x1B0]  }
0x6b: {  	v29 =	vld [tilespmem:s13+$0x1C0]  }
0x6c: {  	v30 =	vld [tilespmem:s13+$0x1D0]  }
0x6d: {  	v31 =	vld [tilespmem:s13+$0x1E0]  }
0x6e: {  	v32 =	vld [tilespmem:s13+$0x1F0]  }
0x6f: {  	v34 =	vld [tilespmem:s13+$0x210]  }
0x70: {  	v35 =	vld [tilespmem:s13+$0x220]  }
0x71: {  	v36 =	vld [tilespmem:s13+$0x230]  }
0x72: {  	v37 =	vld [tilespmem:s13+$0x240]  }
0x73: {  	v39 =	vld [tilespmem:s13+$0x260]  }
0x74: {  	v40 =	vld [tilespmem:s13+$0x270]  }
0x75: {  	v50 =	vld [tilespmem:s13+$0x2A0]  }
0x76: {  	v51 =	vld [tilespmem:s13+$0x2B0]  }
0x77: {  	s14 =	sand.u32 $0x7FE0, s13;
	v52 =	vld [tilespmem:s13+$0x2C0]  }
0x78: {  	v9 =	vld [tilespmem:s14+$0x80];
	vm0 =	vlt.s32 v1, v2;
	vm9 =	vlt.s32 v3, v4  }
0x79: {  	v17 =	vld [tilespmem:s14+$0x100];
	vm1 =	vlt.s32 v5, v6;
	vm2 =	vlt.s32 v7, v8;
	vm11 =	vlt.s32 v11, v12  }
0x7a: {  	v25 =	vld [tilespmem:s14+$0x180];
	vm12 =	vlt.s32 v13, v14;
	vm13 =	vlt.s32 v15, v16;
	vm15 =	vlt.s32 v19, v20  }
0x7b: {  	v53 =	vld [tilespmem:s13+$0x2D0];
	vm4 =	vlt.s32 v21, v22;
	vm5 =	vlt.s32 v23, v24;
	vm7 =	vlt.s32 v27, v28  }
0x7c: {  	v57 =	vld [tilespmem:s13+$0x2E0];
	vm8 =	vlt.s32 v29, v30;
	v1 =	vsel vm0, v1, v2;
	v3 =	vsel vm9, v3, v4  }
0x7d: {  	v58 =	vld [tilespmem:s13+$0x2F0];
	v4 =	vsel vm1, v5, v6;
	v5 =	vsel vm2, v7, v8;
	vm10 =	vlt.s32 v9, v10  }
0x7e: {  	v38 =	vld [tilespmem:s13+$0x250];
	vm14 =	vlt.s32 v17, v18;
	v54 =	vsel vm13, v15, v16;
	v56 =	vsel vm15, v19, v20  }
0x7f: {  	v33 =	vld [tilespmem:s14+$0x200];
	vm6 =	vlt.s32 v25, v26;
	v59 =	vsel vm4, v21, v22;
	v60 =	vsel vm5, v23, v24  }
0x80: {  	v63 =	vld [tilespmem:s13+$0x310];
	vm9 =	vlt.s32 v31, v32;
	v42 =	vsel vm7, v27, v28;
	v43 =	vsel vm8, v29, v30  }
0x81: {  	v62 =	vld [tilespmem:s14+$0x300];
	vm13 =	vlt.s32 v39, v40;
	vm15 =	vlt.s32 v50, v51;
	vm4 =	vlt.s32 v52, v53  }
0x82: {  	vm5 =	vlt.s32 v57, v58;
	v8 =	vsel vm10, v9, v10;
	v9 =	vsel vm11, v11, v12  }
0x83: {  	v10 =	vsel vm12, v13, v14;
	v55 =	vsel vm14, v17, v18;
	v61 =	vsel vm6, v25, v26  }
0x84: {  	v44 =	vsel vm9, v31, v32;
	vm10 =	vlt.s32 v33, v34;
	vm11 =	vlt.s32 v35, v36  }
0x85: {  	vm12 =	vlt.s32 v37, v38;
	v48 =	vsel vm13, v39, v40;
	v6 =	vsel vm15, v50, v51  }
0x86: {  	vm6 =	vlt.s32 v62, v63;
	v49 =	vsel vm4, v52, v53;
	v50 =	vsel vm5, v57, v58  }
0x87: {  	vm7 =	vlt.s32 v1, v3;
	vm8 =	vlt.s32 v4, v5;
	v45 =	vsel vm10, v33, v34  }
0x88: {  	v46 =	vsel vm11, v35, v36;
	v47 =	vsel vm12, v37, v38;
	v51 =	vsel vm6, v62, v63  }
0x89: {  	v41 =	vld [tilespmem:s13+$0x290];
	vm9 =	vlt.s32 v8, v9;
	v1 =	vsel vm7, v1, v3;
	v3 =	vsel vm8, v4, v5  }
0x8a: {  	v2 =	vld [tilespmem:s14+$0x280];
	vm10 =	vlt.s32 v10, v54;
	vm11 =	vlt.s32 v55, v56;
	vm12 =	vlt.s32 v59, v60  }
0x8b: {  	vm13 =	vlt.s32 v61, v42;
	vm6 =	vlt.s32 v49, v50;
	v52 =	vsel vm9, v8, v9  }
0x8c: {  	v53 =	vsel vm10, v10, v54;
	v54 =	vsel vm11, v55, v56;
	v55 =	vsel vm12, v59, v60  }
0x8d: {  	vm15 =	vlt.s32 v45, v46;
	v56 =	vsel vm13, v61, v42;
	vm4 =	vlt.s32 v47, v48  }
0x8e: {  	v60 =	vsel vm6, v49, v50;
	vm7 =	vlt.s32 v1, v3;
	v58 =	vsel vm15, v45, v46  }
0x8f: {  	v59 =	vsel vm4, v47, v48;
	vm8 =	vlt.s32 v52, v53;
	vm14 =	vlt.s32 v2, v41  }
0x90: {  	vm9 =	vlt.s32 v54, v55;
	v1 =	vsel vm7, v1, v3;
	v2 =	vsel vm14, v2, v41  }
0x91: {  	v3 =	vsel vm8, v52, v53;
	vm14 =	vlt.s32 v43, v44;
	vm5 =	vlt.s32 v2, v6  }
0x92: {  	v61 =	vsel vm9, v54, v55;
	v57 =	vsel vm14, v43, v44;
	v2 =	vsel vm5, v2, v6  }
0x93: {  	vm11 =	vlt.s32 v58, v59;
	vm10 =	vlt.s32 v56, v57;
	vm12 =	vlt.s32 v2, v60  }
0x94: {  	v63 =	vsel vm11, v58, v59;
	v62 =	vsel vm10, v56, v57;
	v2 =	vsel vm12, v2, v60  }
0x95: {  	vm13 =	vlt.s32 v1, v3;
	vm14 =	vlt.s32 v61, v62;
	vm2 =	vlt.s32 v63, v2  }
0x96: {  	v1 =	vsel vm13, v1, v3;
	v3 =	vsel vm14, v61, v62;
	v2 =	vsel vm2, v63, v2  }
0x97: {  	vm0 =	vlt.s32 v1, v3;
	vm15 =	vlt.s32 v2, v51  }
0x98: {  	v1 =	vsel vm0, v1, v3;
	v2 =	vsel vm15, v2, v51  }
0x99: {  	vm0 =	vlt.s32 v1, v2  }
0x9a: {  	v1 =	vsel vm0, v1, v2  }
0x9b: {  	vm0 =	veq.s32 v1, $0x0  }
0x9c: {  	v1 =	vsel vm0, $0x3F800000, v0  }
0x9d: {  	(xrf0) =	vmax.scan.msk.f32 $0xffff, v1;
	_ =	sdelay $0x5  }
0x9e: {  	v1, _, _ =	vpop (xrf0)  }
0x9f: {  	(v2sf) =	vpush v1, $0xF;
	_ =	sdelay $0xe  }
0xa0: {  	s31 =	spop (v2sf)  }
0xa1: {  	p1 =	sgt.f32 s31, $0.0e+00  }
.Ltmp2:
0xa2: {  	_ = 	snop;
	(pc) =	sbr.rel @!p1 .LBB2_5-.Ltmp2, $1  }
0xa3: {  	_ =	sdelay $0x3  }
0xa4: {  	s13 =	sadd.s32 s5, s13  }
0xa5: {  	s13 =	sshrl.u32 s13, $0x3  }
0xa6: {  	s15 =	simm.s32 $0x0;
	s14 =	sadd.s32 s7, s13  }
0xa7: {  	[tilespmem:s9], [sflag:$0x2] =	stream.linear.gather [hbm4b:s14+s15], $0x320, $0x38;
	[tilespmem:$0x66B0] =	vst v63  }
0xa8: {  	_ =	swait.ge [sflag:s10], $0x320  }
0xa9: {  	[sflag:s10] =	ssyncset.done $0x0  }
0xaa: {  	v1 =	vmov s6;
	s13 =	sadd.s32 s4, s13;
	[sflag:s10] =	ssyncadd.s32 $0xFFFFFCE0  }
0xab: {  	[tilespmem:s11], [sflag:$0x2] =	stream.linear.gather [hbm4b:s13+s15], $0x320, $0x38;
	[tilespmem:$0x66B0] =	vst v63  }
0xac: {  	_ =	swait.ge [sflag:s10], $0x320  }
0xad: {  	[sflag:s10] =	ssyncset.done $0x0  }
0xae: {  	s30 =	simm.s32 $0x0;
	[sflag:s10] =	ssyncadd.s32 $0xFFFFFCE0  }
0xaf: {  	v2 =	vld.idx.msk [tilespmem:v1+s30+$0x0 ss:$0x1], $0xffff;
	_ =	sdelay $0x4  }
0xb0: {  	vm0 =	veq.s32 v2, $0x0  }
0xb1: {  	v3 =	vsel vm0, $0x3F800000, v0  }
0xb2: {  	(xrf0) =	vmax.scan.msk.f32 $0xffff, v3;
	_ =	sdelay $0x5  }
0xb3: {  	v3, _, _ =	vpop (xrf0)  }
0xb4: {  	(v2sf) =	vpush v3, $0xF;
	_ =	sdelay $0xe  }
0xb5: {  	s31 =	spop (v2sf)  }
0xb6: {  	p1 =	sgt.f32 s31, $0.0e+00;
	_ =	sdelay $0x1  }
0xb7: {  	s13 =	simm.s32 @p1 $0x0  }
0xb8: {  	v3 =	vld @p1 [tilespmem:s13+$0x5200];
	_ =	sdelay $0x4  }
0xb9: {  	vm0 =	veq.s32 @p1 v2, $0x0;
	v2 =	vshll.u32 @p1 v3, $0x7;
	v3 =	vlaneseq.u32 @p1  }
0xba: {  	v2 =	vor.u32 @p1 v3, v2;
	_ =	sdelay $0x3  }
0xbb: {  	s14 =	simm.s32 @p1 $0x5E80;
	v3 =	vimm.f32 @p1 $1.000000000e+00  }
0xbc: {  	v4 =	vimm.s32 @p1 $0x0;
	[tilespmem:v2+s14+$0x0] =	vst.idx.add.f32.msk @p1 vm0, v3  }
0xbd: {  	v2 =	vimm.s32 @p1 $0x5;
	[tilespmem:$0x5580] =	vst @p1 v4  }
0xbe: {  	[tilespmem:$0x5600] =	vst @p1 v2  }
0xbf: {  	v2 =	vld @p1 [tilespmem:s13+$0x4E80];
	_ =	sdelay $0x3  }
0xc0: {  	s14 =	simm.s32 @p1 $0x5580  }
0xc1: {  	[tilespmem:s14+$0x0] =	vst.msk @p1 vm0, v2  }
0xc2: {  	v2 =	vld @p1 [tilespmem:s13+$0x5200];
	_ =	sdelay $0x3  }
0xc3: {  	s13 =	simm.s32 @p1 $0x5600  }
0xc4: {  	s15 =	simm.s32 @p1 $0x10;
	s16 =	simm.s32 @p1 $0x5680;
	s17 =	simm.s32 @p1 $0x1;
	[tilespmem:s13+$0x0] =	vst.msk @p1 vm0, v2  }
0xc5: {  	[tilespmem:s16], [sflag:$0x1] =	stream.indirect.gather @p1 [hbm4b:s3+s15], $0x80, s14, s15, $0xb8;
	[tilespmem:$0x66B0] =	vst v63  }
0xc6: {  	_ =	swait.ge @p1 [sflag:s17], $0x800  }
0xc7: {  	[sflag:s17] =	ssyncset.done @p1 $0x0  }
0xc8: {  	s14 =	simm.s32 @p1 $0x2;
	[sflag:s17] =	ssyncadd.s32 @p1 $0xFFFFF800  }
0xc9: {  	[spmem:s2] =	stream.indirect.scatter.add.f32 @p1 [tilespmem:s16], [sflag:$0x2], $0x80, s13, s15, $0xb8;
	[tilespmem:$0x66B0] =	vst v63  }
0xca: {  	s13 =	simm.s32 $0x40;
	_ =	swait.ge @p1 [sflag:s14], $0x800  }
.LBB2_3:
0xcb: {  	[sflag:s14] =	ssyncset.done @p1 $0x0;
	s15 =	smov.u32 s13;
	s13 =	sadd.s32 $0x40, s13  }
0xcc: {  	s16 =	sshra.s32 s15, $0x2;
	p2 =	sne.s32 s13, $0xC80;
	[sflag:s14] =	ssyncadd.s32 @p1 $0xFFFFF800  }
0xcd: {  	v2 =	vld.idx.msk [tilespmem:v1+s16+$0x0 ss:$0x1], $0xffff;
	_ =	sdelay $0x5  }
0xce: {  	vm0 =	veq.s32 v2, $0x0  }
0xcf: {  	v3 =	vsel vm0, $0x3F800000, v0  }
0xd0: {  	(xrf0) =	vmax.scan.msk.f32 $0xffff, v3;
	_ =	sdelay $0x5  }
0xd1: {  	v3, _, _ =	vpop (xrf0)  }
0xd2: {  	(v2sf) =	vpush v3, $0xF;
	_ =	sdelay $0xe  }
0xd3: {  	s14 =	spop (v2sf)  }
0xd4: {  	p1 =	sgt.f32 s14, $0.0e+00;
	_ =	sdelay $0x1  }
0xd5: {  	s14 =	sshra.s32 @p1 s15, $0x2  }
0xd6: {  	v3 =	vld @p1 [tilespmem:s14+$0x5200];
	_ =	sdelay $0x4  }
0xd7: {  	vm0 =	veq.s32 @p1 v2, $0x0;
	v2 =	vshll.u32 @p1 v3, $0x7;
	v3 =	vlaneseq.u32 @p1  }
0xd8: {  	v2 =	vor.u32 @p1 v3, v2;
	_ =	sdelay $0x3  }
0xd9: {  	s15 =	simm.s32 @p1 $0x5E80;
	v3 =	vimm.f32 @p1 $1.000000000e+00  }
0xda: {  	v4 =	vimm.s32 @p1 $0x0;
	[tilespmem:v2+s15+$0x0] =	vst.idx.add.f32.msk @p1 vm0, v3;
	v2 =	vimm.s32 @p1 $0x5  }
0xdb: {  	[tilespmem:$0x5580] =	vst @p1 v4  }
0xdc: {  	[tilespmem:$0x5600] =	vst @p1 v2  }
0xdd: {  	v2 =	vld @p1 [tilespmem:s14+$0x4E80];
	_ =	sdelay $0x2  }
0xde: {  	s15 =	simm.s32 @p1 $0x5580;
	_ =	sdelay $0x1  }
0xdf: {  	[tilespmem:s15+$0x0] =	vst.msk @p1 vm0, v2  }
0xe0: {  	v2 =	vld @p1 [tilespmem:s14+$0x5200];
	_ =	sdelay $0x2  }
0xe1: {  	s16 =	simm.s32 @p1 $0x5600  }
0xe2: {  	s17 =	simm.s32 @p1 $0x10;
	s18 =	simm.s32 @p1 $0x5680  }
0xe3: {  	s14 =	simm.s32 @p1 $0x1;
	[tilespmem:s16+$0x0] =	vst.msk @p1 vm0, v2  }
0xe4: {  	[tilespmem:s18], [sflag:$0x1] =	stream.indirect.gather @p1 [hbm4b:s3+s17], $0x80, s15, s17, $0xb8;
	[tilespmem:$0x66B0] =	vst v63  }
.Ltmp3:
0xe5: {  	_ =	swait.ge @p1 [sflag:s14], $0x800;
	(pc) =	sbr.rel @p2 .LBB2_3-.Ltmp3, $4  }
0xe6: {  	[sflag:s14] =	ssyncset.done @p1 $0x0  }
0xe7: {  	[sflag:s14] =	ssyncadd.s32 @p1 $0xFFFFF800;
	s14 =	simm.s32 @p1 $0x2  }
0xe8: {  	[spmem:s2] =	stream.indirect.scatter.add.f32 @p1 [tilespmem:s18], [sflag:$0x2], $0x80, s16, s17, $0xb8;
	[tilespmem:$0x66B0] =	vst v63  }
0xe9: {  	_ =	swait.ge @p1 [sflag:s14], $0x800  }
.Ltmp4:
0xea: {  	_ = 	snop;
	(pc) =	sbr.rel .LBB2_4-.Ltmp4, $1  }
0xeb: {  	_ =	sdelay $0x3  }
.LBB2_6:
0xec: {  	[bflag:$0x0] =	sbarrier.arrive $0xFFFF  }
0xed: {  	s3 =	simm.s32 $0x0;
	s4 =	simm.s32 $0x5E80;
	s31 =	simm.s32 $0x2  }
0xee: {  	[hbm4b:s8+s3] =	stream.linear.scatter [tilespmem:s4], [sflag:$0x2], $0x280, $0x38;
	[tilespmem:$0x66B0] =	vst v63  }
0xef: {  	_ =	swait.ge [sflag:s31], $0x280  }
0xf0: {  	[sflag:s31] =	ssyncset.done $0x0  }
0xf1: {  	[sflag:s31] =	ssyncadd.s32 $0xFFFFFD80  }
0xf2: {  	_ =	sfence.sel @p0 $0x180000  }
0xf3: {  	[bflag:$0x0] =	sbarrier.arrive @p0 $0xFFFF  }
0xf4: {  	_ =	strace @p0 $0x90000047  }
0xf5: {  	s2 =	sshrl.u32 @!p0 s2, $0x3;
	s3 =	simm.s32 @!p0 $0x1C02;
	[bflag:$0x2] =	sbarrier.arrive @p0 $0xFFFF  }
0xf6: {  	[hbm:s1], [sflag:s3] =	dma.local @!p0 [spmem:s2], $0x60  }
0xf7: {  	s1 =	simm.s32 @!p0 $0x2  }
0xf8: {  	_ =	swait.ge @!p0 [sflag:s1], $0x60  }
0xf9: {  	[sflag:s1] =	ssyncset.done @!p0 $0x0  }
0xfa: {  	[sflag:s1] =	ssyncadd.s32 @!p0 $0xFFFFFFA0  }
0xfb: {  	_ =	sfence.sel @!p0 $0x180000  }
0xfc: {  	[bflag:$0x0] =	sbarrier.arrive @!p0 $0xFFFF  }
0xfd: {  	_ =	strace @!p0 $0x90000047  }
0xfe: {  	s0 =	sadd.s32 @!p0 $0x100000, s0;
	[bflag:$0x2] =	sbarrier.arrive @!p0 $0xFFFF  }
0xff: {  	[sflag:s0] =	ssyncadd.tile.s32 @!p0 $0x1;
	_ =	shalt  }
.Lfunc_end2:
_tile_overlayer_lowered:
.L_overlay_start_2:
0x100: {  	(tag) =	ssettag $0x2  }
0x101: {  	s0 =	rddreg [dreg:$0x0];
	s2 =	stileid.u32  }
0x102: {  	s1 =	rddreg [dreg:$0x1];
	p0 =	sne.s32 s2, $0x0  }
0x103: {  	s3 =	rddreg [dreg:$0x2];
	[bflag:$0x3] =	sbarrier.arrive $0xFFFF;
	s2 =	simm.s32 @!p0 $0x1C02  }
0x104: {  	[timem:s3], [sflag:s2] =	dma.local @!p0 [hbm:s0], s1  }
0x105: {  	s0 =	simm.s32 @!p0 $0x2  }
0x106: {  	_ =	swait.ge @!p0 [sflag:s0], s1  }
0x107: {  	s1 =	ssub.s32 @!p0 $0x0, s1;
	[sflag:s0] =	ssyncset.done @!p0 $0x0  }
0x108: {  	[sflag:s0] =	ssyncadd.s32 @!p0 s1  }
0x109: {  	[bflag:$0x3] =	sbarrier.arrive $0xFFFF  }
0x10a: {  	_ =	shalt  }

</sc_bundles>
